<compile_context>
chip_gen: v7x
topology: tpu7x:2x2x1
jax: 0.10.2.dev20260603
libtpu: 0.0.44.dev20260713+nightly
codegen_flags: <defaults>
</compile_context>

<pallas_src>
import functools

import jax
import jax.numpy as jnp
from jax import lax
from jax.experimental import pallas as pl
from jax.experimental.pallas import tpu as pltpu
from jax.experimental.pallas import tpu_sc as plsc

_VOCAB = 100000
_CHAR_DIM = 32
_N_COMP = 4
_NC = 2
_NS = 16
_NW = _NC * _NS
_T = 128
_G = 2
_NBUF = 3
_WLAG = 1


def _build_gather(ntok: int):
    tpw = ntok // _NW
    n_rows = tpw // _T
    chunk = _G * _T
    n_chunks = tpw // chunk
    mesh = plsc.VectorSubcoreMesh(core_axis_name="c", subcore_axis_name="s")

    @functools.partial(
        pl.kernel,
        out_type=jax.ShapeDtypeStruct((ntok, _N_COMP * _CHAR_DIM), jnp.float32),
        mesh=mesh,
        scratch_types=[
            pltpu.VMEM((n_rows, _T), jnp.int32),
            pltpu.VMEM((_NBUF, chunk, _N_COMP * _CHAR_DIM), jnp.float32),
            pltpu.SemaphoreType.DMA,
            pltpu.SemaphoreType.DMA,
        ],
    )
    def gather(idx_hbm, tab_hbm, out_hbm, idx_v, rows_v, gsem, wsem):
        wid = lax.axis_index("s") * _NC + lax.axis_index("c")
        wbase = wid * tpw

        def out_at(k):
            return out_hbm.at[pl.ds(wbase + k * chunk, chunk)]

        def fire_gather(k, b):
            for g in range(_G):
                pltpu.async_copy(
                    tab_hbm.at[idx_v.at[k * _G + g]],
                    rows_v.at[b, pl.ds(g * _T, _T)],
                    gsem,
                )

        def wait_gather(k, b):
            pltpu.make_async_copy(out_at(k), rows_v.at[b], gsem).wait()

        def fire_write(k, b):
            pltpu.async_copy(rows_v.at[b], out_at(k), wsem)

        def wait_write(k, b):
            pltpu.make_async_copy(rows_v.at[b], out_at(k), wsem).wait()

        pltpu.sync_copy(idx_hbm.at[pl.ds(wid * n_rows, n_rows)], idx_v)

        for b in range(_NBUF):
            fire_gather(b, b)
        for k in range(_WLAG):
            wait_gather(k, k % _NBUF)
            fire_write(k, k % _NBUF)

        steady_end = _WLAG + ((n_chunks - _NBUF - _WLAG) // _NBUF) * _NBUF

        @pl.loop(_WLAG, steady_end, step=_NBUF)
        def _ring(j):
            for i in range(_NBUF):
                k = j + i
                b = (_WLAG + i) % _NBUF
                wait_gather(k, b)
                fire_write(k, b)
                kp, bp = k - _WLAG, (i % _NBUF)
                wait_write(kp, bp)
                fire_gather(kp + _NBUF, bp)

        for k in range(steady_end, n_chunks):
            wait_gather(k, k % _NBUF)
            fire_write(k, k % _NBUF)
            kp = k - _WLAG
            wait_write(kp, kp % _NBUF)
            if kp + _NBUF < n_chunks:
                fire_gather(kp + _NBUF, kp % _NBUF)
        for k in range(n_chunks - _WLAG, n_chunks):
            wait_write(k, k % _NBUF)

    return gather


def kernel(idx, tables):
    b, s = idx.shape
    ntok = b * s
    idx_rows = idx.reshape(ntok // _T, _T).astype(jnp.int32)
    ftab = jnp.transpose(tables, (1, 0, 2)).reshape(_VOCAB, _N_COMP * _CHAR_DIM)
    out = _build_gather(ntok)(idx_rows, ftab)
    return out.reshape(b, s, _N_COMP * _CHAR_DIM)

# --- scband reference (transcript-rebuilt; emitter-appended) ---
"""Pipeline reference for scband-multi-frequency-char-embedding-64862596104782 (READ-ONLY COPY).

The authoritative reference and input builder live on the scoring server;
editing this copy changes nothing except your own understanding.
"""

import jax, jax.numpy as jnp
import numpy as np

VOCAB = 100000
CHAR_DIM = 32
N_COMP = 4


def setup_inputs(seed: int = 0) -> dict:
    key = jax.random.key(seed)
    k_idx, k_tab = jax.random.split(key)
    idx = jax.random.randint(k_idx, (4096, 200), 0, VOCAB, dtype=jnp.int64 if jax.config.jax_enable_x64 else jnp.int32)
    # Stacked embedding tables: one per frequency component.
    tables = jax.random.normal(k_tab, (N_COMP, VOCAB, CHAR_DIM), dtype=jnp.float32)
    return {"idx": idx, "tables": tables}


def reference(idx, tables):
    # For each frequency component, gather from its table, then concat on last dim.
    embeds = [jnp.take(tables[i], idx, axis=0) for i in range(N_COMP)]
    return jnp.concatenate(embeds, axis=-1)

if __name__ == "__main__":
    import jax
    _d = setup_inputs()
    print(jax.jit(kernel)(*tuple(_d.values())))

</pallas_src>

<mosaic_0001>
#map = affine_map<(d0, d1) -> (0, 0)>
module attributes {stable_mosaic.version = 14 : i64} {
  func.func @gather(%arg0: i32, %arg1: i32, %arg2: memref<6400x128xi32, #tpu.memory_space<hbm>>, %arg3: memref<100000x128xf32, #tpu.memory_space<hbm>>, %arg4: memref<819200x128xf32, #tpu.memory_space<hbm>>, %arg5: memref<200x128xi32, #tpu.memory_space<vmem>>, %arg6: memref<3x256x128xf32, #tpu.memory_space<vmem>>, %arg7: memref<!tpu.dma_semaphore, #tpu.memory_space<semaphore_mem>>, %arg8: memref<!tpu.dma_semaphore, #tpu.memory_space<semaphore_mem>>) attributes {dimension_semantics = [#tpu.dimension_semantics<core_parallel>, #tpu.dimension_semantics<subcore_parallel>], iteration_bounds = array<i64: 2, 16>, scalar_prefetch = 0 : i64, scratch_operands = 4 : i64, tpu.core_type = #tpu.core_type<sc_vector_subcore>, window_params = [{transform_indices = #map}, {transform_indices = #map}, {transform_indices = #map}]} {
    %mul3A = arith.constant 2 : i32
    %mul3A_0 = arith.muli %arg1, %mul3A : i32
    %add3A = arith.addi %mul3A_0, %arg0 : i32
    %mul3A_1 = arith.constant 25600 : i32
    %mul3A_2 = arith.muli %add3A, %mul3A_1 : i32
    %mul3A_3 = arith.constant 200 : i32
    %mul3A_4 = arith.muli %add3A, %mul3A_3 : i32
    "tpu.region"() ({
      %run_scoped3A = tpu.sem_alloc : memref<!tpu.dma_semaphore, #tpu.memory_space<semaphore_mem>>
      %dma_start3A_283 = arith.constant 0 : i32
      %dma_start3A_284 = tpu.memref_slice %arg2[%mul3A_4, %dma_start3A_283] : memref<6400x128xi32, #tpu.memory_space<hbm>> -> memref<200x128xi32, #tpu.memory_space<hbm>>
      %dma_start3A_285 = arith.constant 0 : i32
      %dma_start3A_286 = tpu.memref_slice %arg2[%mul3A_4, %dma_start3A_285] : memref<6400x128xi32, #tpu.memory_space<hbm>> -> memref<200x128xi32, #tpu.memory_space<hbm>>
      tpu.enqueue_dma source(%dma_start3A_286 : memref<200x128xi32, #tpu.memory_space<hbm>>) target(%arg5 : memref<200x128xi32, #tpu.memory_space<vmem>>) target_semaphore(%run_scoped3A : memref<!tpu.dma_semaphore, #tpu.memory_space<semaphore_mem>>)
      %dma_wait3A_287 = arith.constant 0 : i32
      %dma_wait3A_288 = tpu.memref_slice %arg2[%mul3A_4, %dma_wait3A_287] : memref<6400x128xi32, #tpu.memory_space<hbm>> -> memref<200x128xi32, #tpu.memory_space<hbm>>
      %dma_wait3A_289 = arith.constant 0 : i32
      %dma_wait3A_290 = tpu.memref_slice %arg2[%mul3A_4, %dma_wait3A_289] : memref<6400x128xi32, #tpu.memory_space<hbm>> -> memref<200x128xi32, #tpu.memory_space<hbm>>
      tpu.wait_dma2 semaphore(%run_scoped3A : memref<!tpu.dma_semaphore, #tpu.memory_space<semaphore_mem>>) src(%dma_wait3A_290 : memref<200x128xi32, #tpu.memory_space<hbm>>) dst(%arg5 : memref<200x128xi32, #tpu.memory_space<vmem>>)
      tpu.yield
    }) : () -> ()
    %dma_start3A = arith.constant 0 : i32
    %dma_start3A_5 = arith.constant 0 : i32
    %dma_start3A_6 = arith.constant 0 : i32
    %dma_start3A_7 = arith.constant 0 : i32
    %dma_start3A_8 = tpu.memref_slice %arg6[%dma_start3A_5, %dma_start3A_6, %dma_start3A_7] : memref<3x256x128xf32, #tpu.memory_space<vmem>> -> memref<1x128x128xf32, #tpu.memory_space<vmem>>
    %dma_start3A_9 = tpu.memref_squeeze %dma_start3A_8 : memref<1x128x128xf32, #tpu.memory_space<vmem>> -> memref<128x128xf32, #tpu.memory_space<vmem>>
    %dma_start3A_10 = arith.constant 0 : i32
    %dma_start3A_11 = tpu.memref_slice %arg5[%dma_start3A, %dma_start3A_10] : memref<200x128xi32, #tpu.memory_space<vmem>> -> memref<1x128xi32, #tpu.memory_space<vmem>>
    %dma_start3A_12 = tpu.memref_squeeze %dma_start3A_11 : memref<1x128xi32, #tpu.memory_space<vmem>> -> memref<128xi32, #tpu.memory_space<vmem>>
    %dma_start3A_13 = arith.constant 0 : i32
    %dma_start3A_14 = arith.constant 0 : i32
    %dma_start3A_15 = tpu.memref_slice %arg3[%dma_start3A_13, %dma_start3A_14] : memref<100000x128xf32, #tpu.memory_space<hbm>> -> memref<100000x128xf32, #tpu.memory_space<hbm>>
    tpu.enqueue_indirect_dma source(%dma_start3A_15 : memref<100000x128xf32, #tpu.memory_space<hbm>>) target(%dma_start3A_9 : memref<128x128xf32, #tpu.memory_space<vmem>>) offsets(%dma_start3A_12 : memref<128xi32, #tpu.memory_space<vmem>>) semaphore(%arg7 : memref<!tpu.dma_semaphore, #tpu.memory_space<semaphore_mem>>)
    %dma_start3A_16 = arith.constant 1 : i32
    %dma_start3A_17 = arith.constant 0 : i32
    %dma_start3A_18 = arith.constant 128 : i32
    %dma_start3A_19 = arith.constant 0 : i32
    %dma_start3A_20 = tpu.memref_slice %arg6[%dma_start3A_17, %dma_start3A_18, %dma_start3A_19] : memref<3x256x128xf32, #tpu.memory_space<vmem>> -> memref<1x128x128xf32, #tpu.memory_space<vmem>>
    %dma_start3A_21 = tpu.memref_squeeze %dma_start3A_20 : memref<1x128x128xf32, #tpu.memory_space<vmem>> -> memref<128x128xf32, #tpu.memory_space<vmem>>
    %dma_start3A_22 = arith.constant 0 : i32
    %dma_start3A_23 = tpu.memref_slice %arg5[%dma_start3A_16, %dma_start3A_22] : memref<200x128xi32, #tpu.memory_space<vmem>> -> memref<1x128xi32, #tpu.memory_space<vmem>>
    %dma_start3A_24 = tpu.memref_squeeze %dma_start3A_23 : memref<1x128xi32, #tpu.memory_space<vmem>> -> memref<128xi32, #tpu.memory_space<vmem>>
    %dma_start3A_25 = arith.constant 0 : i32
    %dma_start3A_26 = arith.constant 0 : i32
    %dma_start3A_27 = tpu.memref_slice %arg3[%dma_start3A_25, %dma_start3A_26] : memref<100000x128xf32, #tpu.memory_space<hbm>> -> memref<100000x128xf32, #tpu.memory_space<hbm>>
    tpu.enqueue_indirect_dma source(%dma_start3A_27 : memref<100000x128xf32, #tpu.memory_space<hbm>>) target(%dma_start3A_21 : memref<128x128xf32, #tpu.memory_space<vmem>>) offsets(%dma_start3A_24 : memref<128xi32, #tpu.memory_space<vmem>>) semaphore(%arg7 : memref<!tpu.dma_semaphore, #tpu.memory_space<semaphore_mem>>)
    %dma_start3A_28 = arith.constant 2 : i32
    %dma_start3A_29 = arith.constant 1 : i32
    %dma_start3A_30 = arith.constant 0 : i32
    %dma_start3A_31 = arith.constant 0 : i32
    %dma_start3A_32 = tpu.memref_slice %arg6[%dma_start3A_29, %dma_start3A_30, %dma_start3A_31] : memref<3x256x128xf32, #tpu.memory_space<vmem>> -> memref<1x128x128xf32, #tpu.memory_space<vmem>>
    %dma_start3A_33 = tpu.memref_squeeze %dma_start3A_32 : memref<1x128x128xf32, #tpu.memory_space<vmem>> -> memref<128x128xf32, #tpu.memory_space<vmem>>
    %dma_start3A_34 = arith.constant 0 : i32
    %dma_start3A_35 = tpu.memref_slice %arg5[%dma_start3A_28, %dma_start3A_34] : memref<200x128xi32, #tpu.memory_space<vmem>> -> memref<1x128xi32, #tpu.memory_space<vmem>>
    %dma_start3A_36 = tpu.memref_squeeze %dma_start3A_35 : memref<1x128xi32, #tpu.memory_space<vmem>> -> memref<128xi32, #tpu.memory_space<vmem>>
    %dma_start3A_37 = arith.constant 0 : i32
    %dma_start3A_38 = arith.constant 0 : i32
    %dma_start3A_39 = tpu.memref_slice %arg3[%dma_start3A_37, %dma_start3A_38] : memref<100000x128xf32, #tpu.memory_space<hbm>> -> memref<100000x128xf32, #tpu.memory_space<hbm>>
    tpu.enqueue_indirect_dma source(%dma_start3A_39 : memref<100000x128xf32, #tpu.memory_space<hbm>>) target(%dma_start3A_33 : memref<128x128xf32, #tpu.memory_space<vmem>>) offsets(%dma_start3A_36 : memref<128xi32, #tpu.memory_space<vmem>>) semaphore(%arg7 : memref<!tpu.dma_semaphore, #tpu.memory_space<semaphore_mem>>)
    %dma_start3A_40 = arith.constant 3 : i32
    %dma_start3A_41 = arith.constant 1 : i32
    %dma_start3A_42 = arith.constant 128 : i32
    %dma_start3A_43 = arith.constant 0 : i32
    %dma_start3A_44 = tpu.memref_slice %arg6[%dma_start3A_41, %dma_start3A_42, %dma_start3A_43] : memref<3x256x128xf32, #tpu.memory_space<vmem>> -> memref<1x128x128xf32, #tpu.memory_space<vmem>>
    %dma_start3A_45 = tpu.memref_squeeze %dma_start3A_44 : memref<1x128x128xf32, #tpu.memory_space<vmem>> -> memref<128x128xf32, #tpu.memory_space<vmem>>
    %dma_start3A_46 = arith.constant 0 : i32
    %dma_start3A_47 = tpu.memref_slice %arg5[%dma_start3A_40, %dma_start3A_46] : memref<200x128xi32, #tpu.memory_space<vmem>> -> memref<1x128xi32, #tpu.memory_space<vmem>>
    %dma_start3A_48 = tpu.memref_squeeze %dma_start3A_47 : memref<1x128xi32, #tpu.memory_space<vmem>> -> memref<128xi32, #tpu.memory_space<vmem>>
    %dma_start3A_49 = arith.constant 0 : i32
    %dma_start3A_50 = arith.constant 0 : i32
    %dma_start3A_51 = tpu.memref_slice %arg3[%dma_start3A_49, %dma_start3A_50] : memref<100000x128xf32, #tpu.memory_space<hbm>> -> memref<100000x128xf32, #tpu.memory_space<hbm>>
    tpu.enqueue_indirect_dma source(%dma_start3A_51 : memref<100000x128xf32, #tpu.memory_space<hbm>>) target(%dma_start3A_45 : memref<128x128xf32, #tpu.memory_space<vmem>>) offsets(%dma_start3A_48 : memref<128xi32, #tpu.memory_space<vmem>>) semaphore(%arg7 : memref<!tpu.dma_semaphore, #tpu.memory_space<semaphore_mem>>)
    %dma_start3A_52 = arith.constant 4 : i32
    %dma_start3A_53 = arith.constant 2 : i32
    %dma_start3A_54 = arith.constant 0 : i32
    %dma_start3A_55 = arith.constant 0 : i32
    %dma_start3A_56 = tpu.memref_slice %arg6[%dma_start3A_53, %dma_start3A_54, %dma_start3A_55] : memref<3x256x128xf32, #tpu.memory_space<vmem>> -> memref<1x128x128xf32, #tpu.memory_space<vmem>>
    %dma_start3A_57 = tpu.memref_squeeze %dma_start3A_56 : memref<1x128x128xf32, #tpu.memory_space<vmem>> -> memref<128x128xf32, #tpu.memory_space<vmem>>
    %dma_start3A_58 = arith.constant 0 : i32
    %dma_start3A_59 = tpu.memref_slice %arg5[%dma_start3A_52, %dma_start3A_58] : memref<200x128xi32, #tpu.memory_space<vmem>> -> memref<1x128xi32, #tpu.memory_space<vmem>>
    %dma_start3A_60 = tpu.memref_squeeze %dma_start3A_59 : memref<1x128xi32, #tpu.memory_space<vmem>> -> memref<128xi32, #tpu.memory_space<vmem>>
    %dma_start3A_61 = arith.constant 0 : i32
    %dma_start3A_62 = arith.constant 0 : i32
    %dma_start3A_63 = tpu.memref_slice %arg3[%dma_start3A_61, %dma_start3A_62] : memref<100000x128xf32, #tpu.memory_space<hbm>> -> memref<100000x128xf32, #tpu.memory_space<hbm>>
    tpu.enqueue_indirect_dma source(%dma_start3A_63 : memref<100000x128xf32, #tpu.memory_space<hbm>>) target(%dma_start3A_57 : memref<128x128xf32, #tpu.memory_space<vmem>>) offsets(%dma_start3A_60 : memref<128xi32, #tpu.memory_space<vmem>>) semaphore(%arg7 : memref<!tpu.dma_semaphore, #tpu.memory_space<semaphore_mem>>)
    %dma_start3A_64 = arith.constant 5 : i32
    %dma_start3A_65 = arith.constant 2 : i32
    %dma_start3A_66 = arith.constant 128 : i32
    %dma_start3A_67 = arith.constant 0 : i32
    %dma_start3A_68 = tpu.memref_slice %arg6[%dma_start3A_65, %dma_start3A_66, %dma_start3A_67] : memref<3x256x128xf32, #tpu.memory_space<vmem>> -> memref<1x128x128xf32, #tpu.memory_space<vmem>>
    %dma_start3A_69 = tpu.memref_squeeze %dma_start3A_68 : memref<1x128x128xf32, #tpu.memory_space<vmem>> -> memref<128x128xf32, #tpu.memory_space<vmem>>
    %dma_start3A_70 = arith.constant 0 : i32
    %dma_start3A_71 = tpu.memref_slice %arg5[%dma_start3A_64, %dma_start3A_70] : memref<200x128xi32, #tpu.memory_space<vmem>> -> memref<1x128xi32, #tpu.memory_space<vmem>>
    %dma_start3A_72 = tpu.memref_squeeze %dma_start3A_71 : memref<1x128xi32, #tpu.memory_space<vmem>> -> memref<128xi32, #tpu.memory_space<vmem>>
    %dma_start3A_73 = arith.constant 0 : i32
    %dma_start3A_74 = arith.constant 0 : i32
    %dma_start3A_75 = tpu.memref_slice %arg3[%dma_start3A_73, %dma_start3A_74] : memref<100000x128xf32, #tpu.memory_space<hbm>> -> memref<100000x128xf32, #tpu.memory_space<hbm>>
    tpu.enqueue_indirect_dma source(%dma_start3A_75 : memref<100000x128xf32, #tpu.memory_space<hbm>>) target(%dma_start3A_69 : memref<128x128xf32, #tpu.memory_space<vmem>>) offsets(%dma_start3A_72 : memref<128xi32, #tpu.memory_space<vmem>>) semaphore(%arg7 : memref<!tpu.dma_semaphore, #tpu.memory_space<semaphore_mem>>)
    %add3A_76 = arith.constant 0 : i32
    %add3A_77 = arith.addi %mul3A_2, %add3A_76 : i32
    %dma_wait3A = arith.constant 0 : i32
    %dma_wait3A_78 = arith.constant 0 : i32
    %dma_wait3A_79 = arith.constant 0 : i32
    %dma_wait3A_80 = tpu.memref_slice %arg6[%dma_wait3A, %dma_wait3A_78, %dma_wait3A_79] : memref<3x256x128xf32, #tpu.memory_space<vmem>> -> memref<1x256x128xf32, #tpu.memory_space<vmem>>
    %dma_wait3A_81 = tpu.memref_squeeze %dma_wait3A_80 : memref<1x256x128xf32, #tpu.memory_space<vmem>> -> memref<256x128xf32, #tpu.memory_space<vmem>>
    %dma_wait3A_82 = arith.constant 0 : i32
    %dma_wait3A_83 = tpu.memref_slice %arg4[%add3A_77, %dma_wait3A_82] : memref<819200x128xf32, #tpu.memory_space<hbm>> -> memref<256x128xf32, #tpu.memory_space<hbm>>
    %dma_wait3A_84 = arith.constant 0 : i32
    %dma_wait3A_85 = arith.constant 0 : i32
    %dma_wait3A_86 = tpu.memref_slice %arg6[%dma_wait3A, %dma_wait3A_84, %dma_wait3A_85] : memref<3x256x128xf32, #tpu.memory_space<vmem>> -> memref<1x256x128xf32, #tpu.memory_space<vmem>>
    %dma_wait3A_87 = tpu.memref_squeeze %dma_wait3A_86 : memref<1x256x128xf32, #tpu.memory_space<vmem>> -> memref<256x128xf32, #tpu.memory_space<vmem>>
    %dma_wait3A_88 = arith.constant 0 : i32
    %dma_wait3A_89 = tpu.memref_slice %arg4[%add3A_77, %dma_wait3A_88] : memref<819200x128xf32, #tpu.memory_space<hbm>> -> memref<256x128xf32, #tpu.memory_space<hbm>>
    tpu.wait_dma2 semaphore(%arg7 : memref<!tpu.dma_semaphore, #tpu.memory_space<semaphore_mem>>) src(%dma_wait3A_89 : memref<256x128xf32, #tpu.memory_space<hbm>>) dst(%dma_wait3A_87 : memref<256x128xf32, #tpu.memory_space<vmem>>)
    %add3A_90 = arith.constant 0 : i32
    %add3A_91 = arith.addi %mul3A_2, %add3A_90 : i32
    %dma_start3A_92 = arith.constant 0 : i32
    %dma_start3A_93 = arith.constant 0 : i32
    %dma_start3A_94 = arith.constant 0 : i32
    %dma_start3A_95 = tpu.memref_slice %arg6[%dma_start3A_92, %dma_start3A_93, %dma_start3A_94] : memref<3x256x128xf32, #tpu.memory_space<vmem>> -> memref<1x256x128xf32, #tpu.memory_space<vmem>>
    %dma_start3A_96 = tpu.memref_squeeze %dma_start3A_95 : memref<1x256x128xf32, #tpu.memory_space<vmem>> -> memref<256x128xf32, #tpu.memory_space<vmem>>
    %dma_start3A_97 = arith.constant 0 : i32
    %dma_start3A_98 = tpu.memref_slice %arg4[%add3A_91, %dma_start3A_97] : memref<819200x128xf32, #tpu.memory_space<hbm>> -> memref<256x128xf32, #tpu.memory_space<hbm>>
    %dma_start3A_99 = arith.constant 0 : i32
    %dma_start3A_100 = tpu.memref_slice %arg4[%add3A_91, %dma_start3A_99] : memref<819200x128xf32, #tpu.memory_space<hbm>> -> memref<256x128xf32, #tpu.memory_space<hbm>>
    %dma_start3A_101 = arith.constant 0 : i32
    %dma_start3A_102 = arith.constant 0 : i32
    %dma_start3A_103 = tpu.memref_slice %arg6[%dma_start3A_92, %dma_start3A_101, %dma_start3A_102] : memref<3x256x128xf32, #tpu.memory_space<vmem>> -> memref<1x256x128xf32, #tpu.memory_space<vmem>>
    %dma_start3A_104 = tpu.memref_squeeze %dma_start3A_103 : memref<1x256x128xf32, #tpu.memory_space<vmem>> -> memref<256x128xf32, #tpu.memory_space<vmem>>
    tpu.enqueue_dma source(%dma_start3A_104 : memref<256x128xf32, #tpu.memory_space<vmem>>) target(%dma_start3A_100 : memref<256x128xf32, #tpu.memory_space<hbm>>) target_semaphore(%arg8 : memref<!tpu.dma_semaphore, #tpu.memory_space<semaphore_mem>>)
    %scan3A = arith.constant 0 : i32
    %scan3A_105 = arith.constant 32 : i32
    %scan3A_106 = arith.addi %scan3A, %scan3A_105 : i32
    %scan3A_107 = arith.constant 1 : i32
    scf.for %scan3A_283 = %scan3A to %scan3A_106 step %scan3A_107  : i32 {
      %mul3A_284 = arith.constant 3 : i32
      %mul3A_285 = arith.muli %scan3A_283, %mul3A_284 : i32
      %add3A_286 = arith.constant 1 : i32
      %add3A_287 = arith.addi %add3A_286, %mul3A_285 : i32
      %add3A_288 = arith.constant 0 : i32
      %add3A_289 = arith.addi %add3A_287, %add3A_288 : i32
      %mul3A_290 = arith.constant 256 : i32
      %mul3A_291 = arith.muli %add3A_289, %mul3A_290 : i32
      %add3A_292 = arith.addi %mul3A_2, %mul3A_291 : i32
      %dma_wait3A_293 = arith.constant 1 : i32
      %dma_wait3A_294 = arith.constant 0 : i32
      %dma_wait3A_295 = arith.constant 0 : i32
      %dma_wait3A_296 = tpu.memref_slice %arg6[%dma_wait3A_293, %dma_wait3A_294, %dma_wait3A_295] : memref<3x256x128xf32, #tpu.memory_space<vmem>> -> memref<1x256x128xf32, #tpu.memory_space<vmem>>
      %dma_wait3A_297 = tpu.memref_squeeze %dma_wait3A_296 : memref<1x256x128xf32, #tpu.memory_space<vmem>> -> memref<256x128xf32, #tpu.memory_space<vmem>>
      %dma_wait3A_298 = arith.constant 0 : i32
      %dma_wait3A_299 = tpu.memref_slice %arg4[%add3A_292, %dma_wait3A_298] : memref<819200x128xf32, #tpu.memory_space<hbm>> -> memref<256x128xf32, #tpu.memory_space<hbm>>
      %dma_wait3A_300 = arith.constant 0 : i32
      %dma_wait3A_301 = arith.constant 0 : i32
      %dma_wait3A_302 = tpu.memref_slice %arg6[%dma_wait3A_293, %dma_wait3A_300, %dma_wait3A_301] : memref<3x256x128xf32, #tpu.memory_space<vmem>> -> memref<1x256x128xf32, #tpu.memory_space<vmem>>
      %dma_wait3A_303 = tpu.memref_squeeze %dma_wait3A_302 : memref<1x256x128xf32, #tpu.memory_space<vmem>> -> memref<256x128xf32, #tpu.memory_space<vmem>>
      %dma_wait3A_304 = arith.constant 0 : i32
      %dma_wait3A_305 = tpu.memref_slice %arg4[%add3A_292, %dma_wait3A_304] : memref<819200x128xf32, #tpu.memory_space<hbm>> -> memref<256x128xf32, #tpu.memory_space<hbm>>
      tpu.wait_dma2 semaphore(%arg7 : memref<!tpu.dma_semaphore, #tpu.memory_space<semaphore_mem>>) src(%dma_wait3A_305 : memref<256x128xf32, #tpu.memory_space<hbm>>) dst(%dma_wait3A_303 : memref<256x128xf32, #tpu.memory_space<vmem>>)
      %mul3A_306 = arith.constant 256 : i32
      %mul3A_307 = arith.muli %add3A_289, %mul3A_306 : i32
      %add3A_308 = arith.addi %mul3A_2, %mul3A_307 : i32
      %dma_start3A_309 = arith.constant 1 : i32
      %dma_start3A_310 = arith.constant 0 : i32
      %dma_start3A_311 = arith.constant 0 : i32
      %dma_start3A_312 = tpu.memref_slice %arg6[%dma_start3A_309, %dma_start3A_310, %dma_start3A_311] : memref<3x256x128xf32, #tpu.memory_space<vmem>> -> memref<1x256x128xf32, #tpu.memory_space<vmem>>
      %dma_start3A_313 = tpu.memref_squeeze %dma_start3A_312 : memref<1x256x128xf32, #tpu.memory_space<vmem>> -> memref<256x128xf32, #tpu.memory_space<vmem>>
      %dma_start3A_314 = arith.constant 0 : i32
      %dma_start3A_315 = tpu.memref_slice %arg4[%add3A_308, %dma_start3A_314] : memref<819200x128xf32, #tpu.memory_space<hbm>> -> memref<256x128xf32, #tpu.memory_space<hbm>>
      %dma_start3A_316 = arith.constant 0 : i32
      %dma_start3A_317 = tpu.memref_slice %arg4[%add3A_308, %dma_start3A_316] : memref<819200x128xf32, #tpu.memory_space<hbm>> -> memref<256x128xf32, #tpu.memory_space<hbm>>
      %dma_start3A_318 = arith.constant 0 : i32
      %dma_start3A_319 = arith.constant 0 : i32
      %dma_start3A_320 = tpu.memref_slice %arg6[%dma_start3A_309, %dma_start3A_318, %dma_start3A_319] : memref<3x256x128xf32, #tpu.memory_space<vmem>> -> memref<1x256x128xf32, #tpu.memory_space<vmem>>
      %dma_start3A_321 = tpu.memref_squeeze %dma_start3A_320 : memref<1x256x128xf32, #tpu.memory_space<vmem>> -> memref<256x128xf32, #tpu.memory_space<vmem>>
      tpu.enqueue_dma source(%dma_start3A_321 : memref<256x128xf32, #tpu.memory_space<vmem>>) target(%dma_start3A_317 : memref<256x128xf32, #tpu.memory_space<hbm>>) target_semaphore(%arg8 : memref<!tpu.dma_semaphore, #tpu.memory_space<semaphore_mem>>)
      %sub3A = arith.constant 1 : i32
      %sub3A_322 = arith.subi %add3A_289, %sub3A : i32
      %mul3A_323 = arith.constant 256 : i32
      %mul3A_324 = arith.muli %sub3A_322, %mul3A_323 : i32
      %add3A_325 = arith.addi %mul3A_2, %mul3A_324 : i32
      %dma_wait3A_326 = arith.constant 0 : i32
      %dma_wait3A_327 = arith.constant 0 : i32
      %dma_wait3A_328 = arith.constant 0 : i32
      %dma_wait3A_329 = tpu.memref_slice %arg6[%dma_wait3A_326, %dma_wait3A_327, %dma_wait3A_328] : memref<3x256x128xf32, #tpu.memory_space<vmem>> -> memref<1x256x128xf32, #tpu.memory_space<vmem>>
      %dma_wait3A_330 = tpu.memref_squeeze %dma_wait3A_329 : memref<1x256x128xf32, #tpu.memory_space<vmem>> -> memref<256x128xf32, #tpu.memory_space<vmem>>
      %dma_wait3A_331 = arith.constant 0 : i32
      %dma_wait3A_332 = tpu.memref_slice %arg4[%add3A_325, %dma_wait3A_331] : memref<819200x128xf32, #tpu.memory_space<hbm>> -> memref<256x128xf32, #tpu.memory_space<hbm>>
      %dma_wait3A_333 = arith.constant 0 : i32
      %dma_wait3A_334 = tpu.memref_slice %arg4[%add3A_325, %dma_wait3A_333] : memref<819200x128xf32, #tpu.memory_space<hbm>> -> memref<256x128xf32, #tpu.memory_space<hbm>>
      %dma_wait3A_335 = arith.constant 0 : i32
      %dma_wait3A_336 = arith.constant 0 : i32
      %dma_wait3A_337 = tpu.memref_slice %arg6[%dma_wait3A_326, %dma_wait3A_335, %dma_wait3A_336] : memref<3x256x128xf32, #tpu.memory_space<vmem>> -> memref<1x256x128xf32, #tpu.memory_space<vmem>>
      %dma_wait3A_338 = tpu.memref_squeeze %dma_wait3A_337 : memref<1x256x128xf32, #tpu.memory_space<vmem>> -> memref<256x128xf32, #tpu.memory_space<vmem>>
      tpu.wait_dma2 semaphore(%arg8 : memref<!tpu.dma_semaphore, #tpu.memory_space<semaphore_mem>>) src(%dma_wait3A_338 : memref<256x128xf32, #tpu.memory_space<vmem>>) dst(%dma_wait3A_334 : memref<256x128xf32, #tpu.memory_space<hbm>>)
      %add3A_339 = arith.constant 3 : i32
      %add3A_340 = arith.addi %sub3A_322, %add3A_339 : i32
      %mul3A_341 = arith.constant 2 : i32
      %mul3A_342 = arith.muli %add3A_340, %mul3A_341 : i32
      %add3A_343 = arith.constant 0 : i32
      %add3A_344 = arith.addi %mul3A_342, %add3A_343 : i32
      %dma_start3A_345 = arith.constant 0 : i32
      %dma_start3A_346 = arith.constant 0 : i32
      %dma_start3A_347 = arith.constant 0 : i32
      %dma_start3A_348 = tpu.memref_slice %arg6[%dma_start3A_345, %dma_start3A_346, %dma_start3A_347] : memref<3x256x128xf32, #tpu.memory_space<vmem>> -> memref<1x128x128xf32, #tpu.memory_space<vmem>>
      %dma_start3A_349 = tpu.memref_squeeze %dma_start3A_348 : memref<1x128x128xf32, #tpu.memory_space<vmem>> -> memref<128x128xf32, #tpu.memory_space<vmem>>
      %dma_start3A_350 = arith.constant 0 : i32
      %dma_start3A_351 = tpu.memref_slice %arg5[%add3A_344, %dma_start3A_350] : memref<200x128xi32, #tpu.memory_space<vmem>> -> memref<1x128xi32, #tpu.memory_space<vmem>>
      %dma_start3A_352 = tpu.memref_squeeze %dma_start3A_351 : memref<1x128xi32, #tpu.memory_space<vmem>> -> memref<128xi32, #tpu.memory_space<vmem>>
      %dma_start3A_353 = arith.constant 0 : i32
      %dma_start3A_354 = arith.constant 0 : i32
      %dma_start3A_355 = tpu.memref_slice %arg3[%dma_start3A_353, %dma_start3A_354] : memref<100000x128xf32, #tpu.memory_space<hbm>> -> memref<100000x128xf32, #tpu.memory_space<hbm>>
      tpu.enqueue_indirect_dma source(%dma_start3A_355 : memref<100000x128xf32, #tpu.memory_space<hbm>>) target(%dma_start3A_349 : memref<128x128xf32, #tpu.memory_space<vmem>>) offsets(%dma_start3A_352 : memref<128xi32, #tpu.memory_space<vmem>>) semaphore(%arg7 : memref<!tpu.dma_semaphore, #tpu.memory_space<semaphore_mem>>)
      %mul3A_356 = arith.constant 2 : i32
      %mul3A_357 = arith.muli %add3A_340, %mul3A_356 : i32
      %add3A_358 = arith.constant 1 : i32
      %add3A_359 = arith.addi %mul3A_357, %add3A_358 : i32
      %dma_start3A_360 = arith.constant 0 : i32
      %dma_start3A_361 = arith.constant 128 : i32
      %dma_start3A_362 = arith.constant 0 : i32
      %dma_start3A_363 = tpu.memref_slice %arg6[%dma_start3A_360, %dma_start3A_361, %dma_start3A_362] : memref<3x256x128xf32, #tpu.memory_space<vmem>> -> memref<1x128x128xf32, #tpu.memory_space<vmem>>
      %dma_start3A_364 = tpu.memref_squeeze %dma_start3A_363 : memref<1x128x128xf32, #tpu.memory_space<vmem>> -> memref<128x128xf32, #tpu.memory_space<vmem>>
      %dma_start3A_365 = arith.constant 0 : i32
      %dma_start3A_366 = tpu.memref_slice %arg5[%add3A_359, %dma_start3A_365] : memref<200x128xi32, #tpu.memory_space<vmem>> -> memref<1x128xi32, #tpu.memory_space<vmem>>
      %dma_start3A_367 = tpu.memref_squeeze %dma_start3A_366 : memref<1x128xi32, #tpu.memory_space<vmem>> -> memref<128xi32, #tpu.memory_space<vmem>>
      %dma_start3A_368 = arith.constant 0 : i32
      %dma_start3A_369 = arith.constant 0 : i32
      %dma_start3A_370 = tpu.memref_slice %arg3[%dma_start3A_368, %dma_start3A_369] : memref<100000x128xf32, #tpu.memory_space<hbm>> -> memref<100000x128xf32, #tpu.memory_space<hbm>>
      tpu.enqueue_indirect_dma source(%dma_start3A_370 : memref<100000x128xf32, #tpu.memory_space<hbm>>) target(%dma_start3A_364 : memref<128x128xf32, #tpu.memory_space<vmem>>) offsets(%dma_start3A_367 : memref<128xi32, #tpu.memory_space<vmem>>) semaphore(%arg7 : memref<!tpu.dma_semaphore, #tpu.memory_space<semaphore_mem>>)
      %add3A_371 = arith.constant 1 : i32
      %add3A_372 = arith.addi %add3A_287, %add3A_371 : i32
      %mul3A_373 = arith.constant 256 : i32
      %mul3A_374 = arith.muli %add3A_372, %mul3A_373 : i32
      %add3A_375 = arith.addi %mul3A_2, %mul3A_374 : i32
      %dma_wait3A_376 = arith.constant 2 : i32
      %dma_wait3A_377 = arith.constant 0 : i32
      %dma_wait3A_378 = arith.constant 0 : i32
      %dma_wait3A_379 = tpu.memref_slice %arg6[%dma_wait3A_376, %dma_wait3A_377, %dma_wait3A_378] : memref<3x256x128xf32, #tpu.memory_space<vmem>> -> memref<1x256x128xf32, #tpu.memory_space<vmem>>
      %dma_wait3A_380 = tpu.memref_squeeze %dma_wait3A_379 : memref<1x256x128xf32, #tpu.memory_space<vmem>> -> memref<256x128xf32, #tpu.memory_space<vmem>>
      %dma_wait3A_381 = arith.constant 0 : i32
      %dma_wait3A_382 = tpu.memref_slice %arg4[%add3A_375, %dma_wait3A_381] : memref<819200x128xf32, #tpu.memory_space<hbm>> -> memref<256x128xf32, #tpu.memory_space<hbm>>
      %dma_wait3A_383 = arith.constant 0 : i32
      %dma_wait3A_384 = arith.constant 0 : i32
      %dma_wait3A_385 = tpu.memref_slice %arg6[%dma_wait3A_376, %dma_wait3A_383, %dma_wait3A_384] : memref<3x256x128xf32, #tpu.memory_space<vmem>> -> memref<1x256x128xf32, #tpu.memory_space<vmem>>
      %dma_wait3A_386 = tpu.memref_squeeze %dma_wait3A_385 : memref<1x256x128xf32, #tpu.memory_space<vmem>> -> memref<256x128xf32, #tpu.memory_space<vmem>>
      %dma_wait3A_387 = arith.constant 0 : i32
      %dma_wait3A_388 = tpu.memref_slice %arg4[%add3A_375, %dma_wait3A_387] : memref<819200x128xf32, #tpu.memory_space<hbm>> -> memref<256x128xf32, #tpu.memory_space<hbm>>
      tpu.wait_dma2 semaphore(%arg7 : memref<!tpu.dma_semaphore, #tpu.memory_space<semaphore_mem>>) src(%dma_wait3A_388 : memref<256x128xf32, #tpu.memory_space<hbm>>) dst(%dma_wait3A_386 : memref<256x128xf32, #tpu.memory_space<vmem>>)
      %mul3A_389 = arith.constant 256 : i32
      %mul3A_390 = arith.muli %add3A_372, %mul3A_389 : i32
      %add3A_391 = arith.addi %mul3A_2, %mul3A_390 : i32
      %dma_start3A_392 = arith.constant 2 : i32
      %dma_start3A_393 = arith.constant 0 : i32
      %dma_start3A_394 = arith.constant 0 : i32
      %dma_start3A_395 = tpu.memref_slice %arg6[%dma_start3A_392, %dma_start3A_393, %dma_start3A_394] : memref<3x256x128xf32, #tpu.memory_space<vmem>> -> memref<1x256x128xf32, #tpu.memory_space<vmem>>
      %dma_start3A_396 = tpu.memref_squeeze %dma_start3A_395 : memref<1x256x128xf32, #tpu.memory_space<vmem>> -> memref<256x128xf32, #tpu.memory_space<vmem>>
      %dma_start3A_397 = arith.constant 0 : i32
      %dma_start3A_398 = tpu.memref_slice %arg4[%add3A_391, %dma_start3A_397] : memref<819200x128xf32, #tpu.memory_space<hbm>> -> memref<256x128xf32, #tpu.memory_space<hbm>>
      %dma_start3A_399 = arith.constant 0 : i32
      %dma_start3A_400 = tpu.memref_slice %arg4[%add3A_391, %dma_start3A_399] : memref<819200x128xf32, #tpu.memory_space<hbm>> -> memref<256x128xf32, #tpu.memory_space<hbm>>
      %dma_start3A_401 = arith.constant 0 : i32
      %dma_start3A_402 = arith.constant 0 : i32
      %dma_start3A_403 = tpu.memref_slice %arg6[%dma_start3A_392, %dma_start3A_401, %dma_start3A_402] : memref<3x256x128xf32, #tpu.memory_space<vmem>> -> memref<1x256x128xf32, #tpu.memory_space<vmem>>
      %dma_start3A_404 = tpu.memref_squeeze %dma_start3A_403 : memref<1x256x128xf32, #tpu.memory_space<vmem>> -> memref<256x128xf32, #tpu.memory_space<vmem>>
      tpu.enqueue_dma source(%dma_start3A_404 : memref<256x128xf32, #tpu.memory_space<vmem>>) target(%dma_start3A_400 : memref<256x128xf32, #tpu.memory_space<hbm>>) target_semaphore(%arg8 : memref<!tpu.dma_semaphore, #tpu.memory_space<semaphore_mem>>)
      %sub3A_405 = arith.constant 1 : i32
      %sub3A_406 = arith.subi %add3A_372, %sub3A_405 : i32
      %mul3A_407 = arith.constant 256 : i32
      %mul3A_408 = arith.muli %sub3A_406, %mul3A_407 : i32
      %add3A_409 = arith.addi %mul3A_2, %mul3A_408 : i32
      %dma_wait3A_410 = arith.constant 1 : i32
      %dma_wait3A_411 = arith.constant 0 : i32
      %dma_wait3A_412 = arith.constant 0 : i32
      %dma_wait3A_413 = tpu.memref_slice %arg6[%dma_wait3A_410, %dma_wait3A_411, %dma_wait3A_412] : memref<3x256x128xf32, #tpu.memory_space<vmem>> -> memref<1x256x128xf32, #tpu.memory_space<vmem>>
      %dma_wait3A_414 = tpu.memref_squeeze %dma_wait3A_413 : memref<1x256x128xf32, #tpu.memory_space<vmem>> -> memref<256x128xf32, #tpu.memory_space<vmem>>
      %dma_wait3A_415 = arith.constant 0 : i32
      %dma_wait3A_416 = tpu.memref_slice %arg4[%add3A_409, %dma_wait3A_415] : memref<819200x128xf32, #tpu.memory_space<hbm>> -> memref<256x128xf32, #tpu.memory_space<hbm>>
      %dma_wait3A_417 = arith.constant 0 : i32
      %dma_wait3A_418 = tpu.memref_slice %arg4[%add3A_409, %dma_wait3A_417] : memref<819200x128xf32, #tpu.memory_space<hbm>> -> memref<256x128xf32, #tpu.memory_space<hbm>>
      %dma_wait3A_419 = arith.constant 0 : i32
      %dma_wait3A_420 = arith.constant 0 : i32
      %dma_wait3A_421 = tpu.memref_slice %arg6[%dma_wait3A_410, %dma_wait3A_419, %dma_wait3A_420] : memref<3x256x128xf32, #tpu.memory_space<vmem>> -> memref<1x256x128xf32, #tpu.memory_space<vmem>>
      %dma_wait3A_422 = tpu.memref_squeeze %dma_wait3A_421 : memref<1x256x128xf32, #tpu.memory_space<vmem>> -> memref<256x128xf32, #tpu.memory_space<vmem>>
      tpu.wait_dma2 semaphore(%arg8 : memref<!tpu.dma_semaphore, #tpu.memory_space<semaphore_mem>>) src(%dma_wait3A_422 : memref<256x128xf32, #tpu.memory_space<vmem>>) dst(%dma_wait3A_418 : memref<256x128xf32, #tpu.memory_space<hbm>>)
      %add3A_423 = arith.constant 3 : i32
      %add3A_424 = arith.addi %sub3A_406, %add3A_423 : i32
      %mul3A_425 = arith.constant 2 : i32
      %mul3A_426 = arith.muli %add3A_424, %mul3A_425 : i32
      %add3A_427 = arith.constant 0 : i32
      %add3A_428 = arith.addi %mul3A_426, %add3A_427 : i32
      %dma_start3A_429 = arith.constant 1 : i32
      %dma_start3A_430 = arith.constant 0 : i32
      %dma_start3A_431 = arith.constant 0 : i32
      %dma_start3A_432 = tpu.memref_slice %arg6[%dma_start3A_429, %dma_start3A_430, %dma_start3A_431] : memref<3x256x128xf32, #tpu.memory_space<vmem>> -> memref<1x128x128xf32, #tpu.memory_space<vmem>>
      %dma_start3A_433 = tpu.memref_squeeze %dma_start3A_432 : memref<1x128x128xf32, #tpu.memory_space<vmem>> -> memref<128x128xf32, #tpu.memory_space<vmem>>
      %dma_start3A_434 = arith.constant 0 : i32
      %dma_start3A_435 = tpu.memref_slice %arg5[%add3A_428, %dma_start3A_434] : memref<200x128xi32, #tpu.memory_space<vmem>> -> memref<1x128xi32, #tpu.memory_space<vmem>>
      %dma_start3A_436 = tpu.memref_squeeze %dma_start3A_435 : memref<1x128xi32, #tpu.memory_space<vmem>> -> memref<128xi32, #tpu.memory_space<vmem>>
      %dma_start3A_437 = arith.constant 0 : i32
      %dma_start3A_438 = arith.constant 0 : i32
      %dma_start3A_439 = tpu.memref_slice %arg3[%dma_start3A_437, %dma_start3A_438] : memref<100000x128xf32, #tpu.memory_space<hbm>> -> memref<100000x128xf32, #tpu.memory_space<hbm>>
      tpu.enqueue_indirect_dma source(%dma_start3A_439 : memref<100000x128xf32, #tpu.memory_space<hbm>>) target(%dma_start3A_433 : memref<128x128xf32, #tpu.memory_space<vmem>>) offsets(%dma_start3A_436 : memref<128xi32, #tpu.memory_space<vmem>>) semaphore(%arg7 : memref<!tpu.dma_semaphore, #tpu.memory_space<semaphore_mem>>)
      %mul3A_440 = arith.constant 2 : i32
      %mul3A_441 = arith.muli %add3A_424, %mul3A_440 : i32
      %add3A_442 = arith.constant 1 : i32
      %add3A_443 = arith.addi %mul3A_441, %add3A_442 : i32
      %dma_start3A_444 = arith.constant 1 : i32
      %dma_start3A_445 = arith.constant 128 : i32
      %dma_start3A_446 = arith.constant 0 : i32
      %dma_start3A_447 = tpu.memref_slice %arg6[%dma_start3A_444, %dma_start3A_445, %dma_start3A_446] : memref<3x256x128xf32, #tpu.memory_space<vmem>> -> memref<1x128x128xf32, #tpu.memory_space<vmem>>
      %dma_start3A_448 = tpu.memref_squeeze %dma_start3A_447 : memref<1x128x128xf32, #tpu.memory_space<vmem>> -> memref<128x128xf32, #tpu.memory_space<vmem>>
      %dma_start3A_449 = arith.constant 0 : i32
      %dma_start3A_450 = tpu.memref_slice %arg5[%add3A_443, %dma_start3A_449] : memref<200x128xi32, #tpu.memory_space<vmem>> -> memref<1x128xi32, #tpu.memory_space<vmem>>
      %dma_start3A_451 = tpu.memref_squeeze %dma_start3A_450 : memref<1x128xi32, #tpu.memory_space<vmem>> -> memref<128xi32, #tpu.memory_space<vmem>>
      %dma_start3A_452 = arith.constant 0 : i32
      %dma_start3A_453 = arith.constant 0 : i32
      %dma_start3A_454 = tpu.memref_slice %arg3[%dma_start3A_452, %dma_start3A_453] : memref<100000x128xf32, #tpu.memory_space<hbm>> -> memref<100000x128xf32, #tpu.memory_space<hbm>>
      tpu.enqueue_indirect_dma source(%dma_start3A_454 : memref<100000x128xf32, #tpu.memory_space<hbm>>) target(%dma_start3A_448 : memref<128x128xf32, #tpu.memory_space<vmem>>) offsets(%dma_start3A_451 : memref<128xi32, #tpu.memory_space<vmem>>) semaphore(%arg7 : memref<!tpu.dma_semaphore, #tpu.memory_space<semaphore_mem>>)
      %add3A_455 = arith.constant 2 : i32
      %add3A_456 = arith.addi %add3A_287, %add3A_455 : i32
      %mul3A_457 = arith.constant 256 : i32
      %mul3A_458 = arith.muli %add3A_456, %mul3A_457 : i32
      %add3A_459 = arith.addi %mul3A_2, %mul3A_458 : i32
      %dma_wait3A_460 = arith.constant 0 : i32
      %dma_wait3A_461 = arith.constant 0 : i32
      %dma_wait3A_462 = arith.constant 0 : i32
      %dma_wait3A_463 = tpu.memref_slice %arg6[%dma_wait3A_460, %dma_wait3A_461, %dma_wait3A_462] : memref<3x256x128xf32, #tpu.memory_space<vmem>> -> memref<1x256x128xf32, #tpu.memory_space<vmem>>
      %dma_wait3A_464 = tpu.memref_squeeze %dma_wait3A_463 : memref<1x256x128xf32, #tpu.memory_space<vmem>> -> memref<256x128xf32, #tpu.memory_space<vmem>>
      %dma_wait3A_465 = arith.constant 0 : i32
      %dma_wait3A_466 = tpu.memref_slice %arg4[%add3A_459, %dma_wait3A_465] : memref<819200x128xf32, #tpu.memory_space<hbm>> -> memref<256x128xf32, #tpu.memory_space<hbm>>
      %dma_wait3A_467 = arith.constant 0 : i32
      %dma_wait3A_468 = arith.constant 0 : i32
      %dma_wait3A_469 = tpu.memref_slice %arg6[%dma_wait3A_460, %dma_wait3A_467, %dma_wait3A_468] : memref<3x256x128xf32, #tpu.memory_space<vmem>> -> memref<1x256x128xf32, #tpu.memory_space<vmem>>
      %dma_wait3A_470 = tpu.memref_squeeze %dma_wait3A_469 : memref<1x256x128xf32, #tpu.memory_space<vmem>> -> memref<256x128xf32, #tpu.memory_space<vmem>>
      %dma_wait3A_471 = arith.constant 0 : i32
      %dma_wait3A_472 = tpu.memref_slice %arg4[%add3A_459, %dma_wait3A_471] : memref<819200x128xf32, #tpu.memory_space<hbm>> -> memref<256x128xf32, #tpu.memory_space<hbm>>
      tpu.wait_dma2 semaphore(%arg7 : memref<!tpu.dma_semaphore, #tpu.memory_space<semaphore_mem>>) src(%dma_wait3A_472 : memref<256x128xf32, #tpu.memory_space<hbm>>) dst(%dma_wait3A_470 : memref<256x128xf32, #tpu.memory_space<vmem>>)
      %mul3A_473 = arith.constant 256 : i32
      %mul3A_474 = arith.muli %add3A_456, %mul3A_473 : i32
      %add3A_475 = arith.addi %mul3A_2, %mul3A_474 : i32
      %dma_start3A_476 = arith.constant 0 : i32
      %dma_start3A_477 = arith.constant 0 : i32
      %dma_start3A_478 = arith.constant 0 : i32
      %dma_start3A_479 = tpu.memref_slice %arg6[%dma_start3A_476, %dma_start3A_477, %dma_start3A_478] : memref<3x256x128xf32, #tpu.memory_space<vmem>> -> memref<1x256x128xf32, #tpu.memory_space<vmem>>
      %dma_start3A_480 = tpu.memref_squeeze %dma_start3A_479 : memref<1x256x128xf32, #tpu.memory_space<vmem>> -> memref<256x128xf32, #tpu.memory_space<vmem>>
      %dma_start3A_481 = arith.constant 0 : i32
      %dma_start3A_482 = tpu.memref_slice %arg4[%add3A_475, %dma_start3A_481] : memref<819200x128xf32, #tpu.memory_space<hbm>> -> memref<256x128xf32, #tpu.memory_space<hbm>>
      %dma_start3A_483 = arith.constant 0 : i32
      %dma_start3A_484 = tpu.memref_slice %arg4[%add3A_475, %dma_start3A_483] : memref<819200x128xf32, #tpu.memory_space<hbm>> -> memref<256x128xf32, #tpu.memory_space<hbm>>
      %dma_start3A_485 = arith.constant 0 : i32
      %dma_start3A_486 = arith.constant 0 : i32
      %dma_start3A_487 = tpu.memref_slice %arg6[%dma_start3A_476, %dma_start3A_485, %dma_start3A_486] : memref<3x256x128xf32, #tpu.memory_space<vmem>> -> memref<1x256x128xf32, #tpu.memory_space<vmem>>
      %dma_start3A_488 = tpu.memref_squeeze %dma_start3A_487 : memref<1x256x128xf32, #tpu.memory_space<vmem>> -> memref<256x128xf32, #tpu.memory_space<vmem>>
      tpu.enqueue_dma source(%dma_start3A_488 : memref<256x128xf32, #tpu.memory_space<vmem>>) target(%dma_start3A_484 : memref<256x128xf32, #tpu.memory_space<hbm>>) target_semaphore(%arg8 : memref<!tpu.dma_semaphore, #tpu.memory_space<semaphore_mem>>)
      %sub3A_489 = arith.constant 1 : i32
      %sub3A_490 = arith.subi %add3A_456, %sub3A_489 : i32
      %mul3A_491 = arith.constant 256 : i32
      %mul3A_492 = arith.muli %sub3A_490, %mul3A_491 : i32
      %add3A_493 = arith.addi %mul3A_2, %mul3A_492 : i32
      %dma_wait3A_494 = arith.constant 2 : i32
      %dma_wait3A_495 = arith.constant 0 : i32
      %dma_wait3A_496 = arith.constant 0 : i32
      %dma_wait3A_497 = tpu.memref_slice %arg6[%dma_wait3A_494, %dma_wait3A_495, %dma_wait3A_496] : memref<3x256x128xf32, #tpu.memory_space<vmem>> -> memref<1x256x128xf32, #tpu.memory_space<vmem>>
      %dma_wait3A_498 = tpu.memref_squeeze %dma_wait3A_497 : memref<1x256x128xf32, #tpu.memory_space<vmem>> -> memref<256x128xf32, #tpu.memory_space<vmem>>
      %dma_wait3A_499 = arith.constant 0 : i32
      %dma_wait3A_500 = tpu.memref_slice %arg4[%add3A_493, %dma_wait3A_499] : memref<819200x128xf32, #tpu.memory_space<hbm>> -> memref<256x128xf32, #tpu.memory_space<hbm>>
      %dma_wait3A_501 = arith.constant 0 : i32
      %dma_wait3A_502 = tpu.memref_slice %arg4[%add3A_493, %dma_wait3A_501] : memref<819200x128xf32, #tpu.memory_space<hbm>> -> memref<256x128xf32, #tpu.memory_space<hbm>>
      %dma_wait3A_503 = arith.constant 0 : i32
      %dma_wait3A_504 = arith.constant 0 : i32
      %dma_wait3A_505 = tpu.memref_slice %arg6[%dma_wait3A_494, %dma_wait3A_503, %dma_wait3A_504] : memref<3x256x128xf32, #tpu.memory_space<vmem>> -> memref<1x256x128xf32, #tpu.memory_space<vmem>>
      %dma_wait3A_506 = tpu.memref_squeeze %dma_wait3A_505 : memref<1x256x128xf32, #tpu.memory_space<vmem>> -> memref<256x128xf32, #tpu.memory_space<vmem>>
      tpu.wait_dma2 semaphore(%arg8 : memref<!tpu.dma_semaphore, #tpu.memory_space<semaphore_mem>>) src(%dma_wait3A_506 : memref<256x128xf32, #tpu.memory_space<vmem>>) dst(%dma_wait3A_502 : memref<256x128xf32, #tpu.memory_space<hbm>>)
      %add3A_507 = arith.constant 3 : i32
      %add3A_508 = arith.addi %sub3A_490, %add3A_507 : i32
      %mul3A_509 = arith.constant 2 : i32
      %mul3A_510 = arith.muli %add3A_508, %mul3A_509 : i32
      %add3A_511 = arith.constant 0 : i32
      %add3A_512 = arith.addi %mul3A_510, %add3A_511 : i32
      %dma_start3A_513 = arith.constant 2 : i32
      %dma_start3A_514 = arith.constant 0 : i32
      %dma_start3A_515 = arith.constant 0 : i32
      %dma_start3A_516 = tpu.memref_slice %arg6[%dma_start3A_513, %dma_start3A_514, %dma_start3A_515] : memref<3x256x128xf32, #tpu.memory_space<vmem>> -> memref<1x128x128xf32, #tpu.memory_space<vmem>>
      %dma_start3A_517 = tpu.memref_squeeze %dma_start3A_516 : memref<1x128x128xf32, #tpu.memory_space<vmem>> -> memref<128x128xf32, #tpu.memory_space<vmem>>
      %dma_start3A_518 = arith.constant 0 : i32
      %dma_start3A_519 = tpu.memref_slice %arg5[%add3A_512, %dma_start3A_518] : memref<200x128xi32, #tpu.memory_space<vmem>> -> memref<1x128xi32, #tpu.memory_space<vmem>>
      %dma_start3A_520 = tpu.memref_squeeze %dma_start3A_519 : memref<1x128xi32, #tpu.memory_space<vmem>> -> memref<128xi32, #tpu.memory_space<vmem>>
      %dma_start3A_521 = arith.constant 0 : i32
      %dma_start3A_522 = arith.constant 0 : i32
      %dma_start3A_523 = tpu.memref_slice %arg3[%dma_start3A_521, %dma_start3A_522] : memref<100000x128xf32, #tpu.memory_space<hbm>> -> memref<100000x128xf32, #tpu.memory_space<hbm>>
      tpu.enqueue_indirect_dma source(%dma_start3A_523 : memref<100000x128xf32, #tpu.memory_space<hbm>>) target(%dma_start3A_517 : memref<128x128xf32, #tpu.memory_space<vmem>>) offsets(%dma_start3A_520 : memref<128xi32, #tpu.memory_space<vmem>>) semaphore(%arg7 : memref<!tpu.dma_semaphore, #tpu.memory_space<semaphore_mem>>)
      %mul3A_524 = arith.constant 2 : i32
      %mul3A_525 = arith.muli %add3A_508, %mul3A_524 : i32
      %add3A_526 = arith.constant 1 : i32
      %add3A_527 = arith.addi %mul3A_525, %add3A_526 : i32
      %dma_start3A_528 = arith.constant 2 : i32
      %dma_start3A_529 = arith.constant 128 : i32
      %dma_start3A_530 = arith.constant 0 : i32
      %dma_start3A_531 = tpu.memref_slice %arg6[%dma_start3A_528, %dma_start3A_529, %dma_start3A_530] : memref<3x256x128xf32, #tpu.memory_space<vmem>> -> memref<1x128x128xf32, #tpu.memory_space<vmem>>
      %dma_start3A_532 = tpu.memref_squeeze %dma_start3A_531 : memref<1x128x128xf32, #tpu.memory_space<vmem>> -> memref<128x128xf32, #tpu.memory_space<vmem>>
      %dma_start3A_533 = arith.constant 0 : i32
      %dma_start3A_534 = tpu.memref_slice %arg5[%add3A_527, %dma_start3A_533] : memref<200x128xi32, #tpu.memory_space<vmem>> -> memref<1x128xi32, #tpu.memory_space<vmem>>
      %dma_start3A_535 = tpu.memref_squeeze %dma_start3A_534 : memref<1x128xi32, #tpu.memory_space<vmem>> -> memref<128xi32, #tpu.memory_space<vmem>>
      %dma_start3A_536 = arith.constant 0 : i32
      %dma_start3A_537 = arith.constant 0 : i32
      %dma_start3A_538 = tpu.memref_slice %arg3[%dma_start3A_536, %dma_start3A_537] : memref<100000x128xf32, #tpu.memory_space<hbm>> -> memref<100000x128xf32, #tpu.memory_space<hbm>>
      tpu.enqueue_indirect_dma source(%dma_start3A_538 : memref<100000x128xf32, #tpu.memory_space<hbm>>) target(%dma_start3A_532 : memref<128x128xf32, #tpu.memory_space<vmem>>) offsets(%dma_start3A_535 : memref<128xi32, #tpu.memory_space<vmem>>) semaphore(%arg7 : memref<!tpu.dma_semaphore, #tpu.memory_space<semaphore_mem>>)
    }
    %scan3A_108 = arith.constant 32 : i32
    %add3A_109 = arith.constant 24832 : i32
    %add3A_110 = arith.addi %mul3A_2, %add3A_109 : i32
    %dma_wait3A_111 = arith.constant 1 : i32
    %dma_wait3A_112 = arith.constant 0 : i32
    %dma_wait3A_113 = arith.constant 0 : i32
    %dma_wait3A_114 = tpu.memref_slice %arg6[%dma_wait3A_111, %dma_wait3A_112, %dma_wait3A_113] : memref<3x256x128xf32, #tpu.memory_space<vmem>> -> memref<1x256x128xf32, #tpu.memory_space<vmem>>
    %dma_wait3A_115 = tpu.memref_squeeze %dma_wait3A_114 : memref<1x256x128xf32, #tpu.memory_space<vmem>> -> memref<256x128xf32, #tpu.memory_space<vmem>>
    %dma_wait3A_116 = arith.constant 0 : i32
    %dma_wait3A_117 = tpu.memref_slice %arg4[%add3A_110, %dma_wait3A_116] : memref<819200x128xf32, #tpu.memory_space<hbm>> -> memref<256x128xf32, #tpu.memory_space<hbm>>
    %dma_wait3A_118 = arith.constant 0 : i32
    %dma_wait3A_119 = arith.constant 0 : i32
    %dma_wait3A_120 = tpu.memref_slice %arg6[%dma_wait3A_111, %dma_wait3A_118, %dma_wait3A_119] : memref<3x256x128xf32, #tpu.memory_space<vmem>> -> memref<1x256x128xf32, #tpu.memory_space<vmem>>
    %dma_wait3A_121 = tpu.memref_squeeze %dma_wait3A_120 : memref<1x256x128xf32, #tpu.memory_space<vmem>> -> memref<256x128xf32, #tpu.memory_space<vmem>>
    %dma_wait3A_122 = arith.constant 0 : i32
    %dma_wait3A_123 = tpu.memref_slice %arg4[%add3A_110, %dma_wait3A_122] : memref<819200x128xf32, #tpu.memory_space<hbm>> -> memref<256x128xf32, #tpu.memory_space<hbm>>
    tpu.wait_dma2 semaphore(%arg7 : memref<!tpu.dma_semaphore, #tpu.memory_space<semaphore_mem>>) src(%dma_wait3A_123 : memref<256x128xf32, #tpu.memory_space<hbm>>) dst(%dma_wait3A_121 : memref<256x128xf32, #tpu.memory_space<vmem>>)
    %add3A_124 = arith.constant 24832 : i32
    %add3A_125 = arith.addi %mul3A_2, %add3A_124 : i32
    %dma_start3A_126 = arith.constant 1 : i32
    %dma_start3A_127 = arith.constant 0 : i32
    %dma_start3A_128 = arith.constant 0 : i32
    %dma_start3A_129 = tpu.memref_slice %arg6[%dma_start3A_126, %dma_start3A_127, %dma_start3A_128] : memref<3x256x128xf32, #tpu.memory_space<vmem>> -> memref<1x256x128xf32, #tpu.memory_space<vmem>>
    %dma_start3A_130 = tpu.memref_squeeze %dma_start3A_129 : memref<1x256x128xf32, #tpu.memory_space<vmem>> -> memref<256x128xf32, #tpu.memory_space<vmem>>
    %dma_start3A_131 = arith.constant 0 : i32
    %dma_start3A_132 = tpu.memref_slice %arg4[%add3A_125, %dma_start3A_131] : memref<819200x128xf32, #tpu.memory_space<hbm>> -> memref<256x128xf32, #tpu.memory_space<hbm>>
    %dma_start3A_133 = arith.constant 0 : i32
    %dma_start3A_134 = tpu.memref_slice %arg4[%add3A_125, %dma_start3A_133] : memref<819200x128xf32, #tpu.memory_space<hbm>> -> memref<256x128xf32, #tpu.memory_space<hbm>>
    %dma_start3A_135 = arith.constant 0 : i32
    %dma_start3A_136 = arith.constant 0 : i32
    %dma_start3A_137 = tpu.memref_slice %arg6[%dma_start3A_126, %dma_start3A_135, %dma_start3A_136] : memref<3x256x128xf32, #tpu.memory_space<vmem>> -> memref<1x256x128xf32, #tpu.memory_space<vmem>>
    %dma_start3A_138 = tpu.memref_squeeze %dma_start3A_137 : memref<1x256x128xf32, #tpu.memory_space<vmem>> -> memref<256x128xf32, #tpu.memory_space<vmem>>
    tpu.enqueue_dma source(%dma_start3A_138 : memref<256x128xf32, #tpu.memory_space<vmem>>) target(%dma_start3A_134 : memref<256x128xf32, #tpu.memory_space<hbm>>) target_semaphore(%arg8 : memref<!tpu.dma_semaphore, #tpu.memory_space<semaphore_mem>>)
    %add3A_139 = arith.constant 24576 : i32
    %add3A_140 = arith.addi %mul3A_2, %add3A_139 : i32
    %dma_wait3A_141 = arith.constant 0 : i32
    %dma_wait3A_142 = arith.constant 0 : i32
    %dma_wait3A_143 = arith.constant 0 : i32
    %dma_wait3A_144 = tpu.memref_slice %arg6[%dma_wait3A_141, %dma_wait3A_142, %dma_wait3A_143] : memref<3x256x128xf32, #tpu.memory_space<vmem>> -> memref<1x256x128xf32, #tpu.memory_space<vmem>>
    %dma_wait3A_145 = tpu.memref_squeeze %dma_wait3A_144 : memref<1x256x128xf32, #tpu.memory_space<vmem>> -> memref<256x128xf32, #tpu.memory_space<vmem>>
    %dma_wait3A_146 = arith.constant 0 : i32
    %dma_wait3A_147 = tpu.memref_slice %arg4[%add3A_140, %dma_wait3A_146] : memref<819200x128xf32, #tpu.memory_space<hbm>> -> memref<256x128xf32, #tpu.memory_space<hbm>>
    %dma_wait3A_148 = arith.constant 0 : i32
    %dma_wait3A_149 = tpu.memref_slice %arg4[%add3A_140, %dma_wait3A_148] : memref<819200x128xf32, #tpu.memory_space<hbm>> -> memref<256x128xf32, #tpu.memory_space<hbm>>
    %dma_wait3A_150 = arith.constant 0 : i32
    %dma_wait3A_151 = arith.constant 0 : i32
    %dma_wait3A_152 = tpu.memref_slice %arg6[%dma_wait3A_141, %dma_wait3A_150, %dma_wait3A_151] : memref<3x256x128xf32, #tpu.memory_space<vmem>> -> memref<1x256x128xf32, #tpu.memory_space<vmem>>
    %dma_wait3A_153 = tpu.memref_squeeze %dma_wait3A_152 : memref<1x256x128xf32, #tpu.memory_space<vmem>> -> memref<256x128xf32, #tpu.memory_space<vmem>>
    tpu.wait_dma2 semaphore(%arg8 : memref<!tpu.dma_semaphore, #tpu.memory_space<semaphore_mem>>) src(%dma_wait3A_153 : memref<256x128xf32, #tpu.memory_space<vmem>>) dst(%dma_wait3A_149 : memref<256x128xf32, #tpu.memory_space<hbm>>)
    %dma_start3A_154 = arith.constant 198 : i32
    %dma_start3A_155 = arith.constant 0 : i32
    %dma_start3A_156 = arith.constant 0 : i32
    %dma_start3A_157 = arith.constant 0 : i32
    %dma_start3A_158 = tpu.memref_slice %arg6[%dma_start3A_155, %dma_start3A_156, %dma_start3A_157] : memref<3x256x128xf32, #tpu.memory_space<vmem>> -> memref<1x128x128xf32, #tpu.memory_space<vmem>>
    %dma_start3A_159 = tpu.memref_squeeze %dma_start3A_158 : memref<1x128x128xf32, #tpu.memory_space<vmem>> -> memref<128x128xf32, #tpu.memory_space<vmem>>
    %dma_start3A_160 = arith.constant 0 : i32
    %dma_start3A_161 = tpu.memref_slice %arg5[%dma_start3A_154, %dma_start3A_160] : memref<200x128xi32, #tpu.memory_space<vmem>> -> memref<1x128xi32, #tpu.memory_space<vmem>>
    %dma_start3A_162 = tpu.memref_squeeze %dma_start3A_161 : memref<1x128xi32, #tpu.memory_space<vmem>> -> memref<128xi32, #tpu.memory_space<vmem>>
    %dma_start3A_163 = arith.constant 0 : i32
    %dma_start3A_164 = arith.constant 0 : i32
    %dma_start3A_165 = tpu.memref_slice %arg3[%dma_start3A_163, %dma_start3A_164] : memref<100000x128xf32, #tpu.memory_space<hbm>> -> memref<100000x128xf32, #tpu.memory_space<hbm>>
    tpu.enqueue_indirect_dma source(%dma_start3A_165 : memref<100000x128xf32, #tpu.memory_space<hbm>>) target(%dma_start3A_159 : memref<128x128xf32, #tpu.memory_space<vmem>>) offsets(%dma_start3A_162 : memref<128xi32, #tpu.memory_space<vmem>>) semaphore(%arg7 : memref<!tpu.dma_semaphore, #tpu.memory_space<semaphore_mem>>)
    %dma_start3A_166 = arith.constant 199 : i32
    %dma_start3A_167 = arith.constant 0 : i32
    %dma_start3A_168 = arith.constant 128 : i32
    %dma_start3A_169 = arith.constant 0 : i32
    %dma_start3A_170 = tpu.memref_slice %arg6[%dma_start3A_167, %dma_start3A_168, %dma_start3A_169] : memref<3x256x128xf32, #tpu.memory_space<vmem>> -> memref<1x128x128xf32, #tpu.memory_space<vmem>>
    %dma_start3A_171 = tpu.memref_squeeze %dma_start3A_170 : memref<1x128x128xf32, #tpu.memory_space<vmem>> -> memref<128x128xf32, #tpu.memory_space<vmem>>
    %dma_start3A_172 = arith.constant 0 : i32
    %dma_start3A_173 = tpu.memref_slice %arg5[%dma_start3A_166, %dma_start3A_172] : memref<200x128xi32, #tpu.memory_space<vmem>> -> memref<1x128xi32, #tpu.memory_space<vmem>>
    %dma_start3A_174 = tpu.memref_squeeze %dma_start3A_173 : memref<1x128xi32, #tpu.memory_space<vmem>> -> memref<128xi32, #tpu.memory_space<vmem>>
    %dma_start3A_175 = arith.constant 0 : i32
    %dma_start3A_176 = arith.constant 0 : i32
    %dma_start3A_177 = tpu.memref_slice %arg3[%dma_start3A_175, %dma_start3A_176] : memref<100000x128xf32, #tpu.memory_space<hbm>> -> memref<100000x128xf32, #tpu.memory_space<hbm>>
    tpu.enqueue_indirect_dma source(%dma_start3A_177 : memref<100000x128xf32, #tpu.memory_space<hbm>>) target(%dma_start3A_171 : memref<128x128xf32, #tpu.memory_space<vmem>>) offsets(%dma_start3A_174 : memref<128xi32, #tpu.memory_space<vmem>>) semaphore(%arg7 : memref<!tpu.dma_semaphore, #tpu.memory_space<semaphore_mem>>)
    %add3A_178 = arith.constant 25088 : i32
    %add3A_179 = arith.addi %mul3A_2, %add3A_178 : i32
    %dma_wait3A_180 = arith.constant 2 : i32
    %dma_wait3A_181 = arith.constant 0 : i32
    %dma_wait3A_182 = arith.constant 0 : i32
    %dma_wait3A_183 = tpu.memref_slice %arg6[%dma_wait3A_180, %dma_wait3A_181, %dma_wait3A_182] : memref<3x256x128xf32, #tpu.memory_space<vmem>> -> memref<1x256x128xf32, #tpu.memory_space<vmem>>
    %dma_wait3A_184 = tpu.memref_squeeze %dma_wait3A_183 : memref<1x256x128xf32, #tpu.memory_space<vmem>> -> memref<256x128xf32, #tpu.memory_space<vmem>>
    %dma_wait3A_185 = arith.constant 0 : i32
    %dma_wait3A_186 = tpu.memref_slice %arg4[%add3A_179, %dma_wait3A_185] : memref<819200x128xf32, #tpu.memory_space<hbm>> -> memref<256x128xf32, #tpu.memory_space<hbm>>
    %dma_wait3A_187 = arith.constant 0 : i32
    %dma_wait3A_188 = arith.constant 0 : i32
    %dma_wait3A_189 = tpu.memref_slice %arg6[%dma_wait3A_180, %dma_wait3A_187, %dma_wait3A_188] : memref<3x256x128xf32, #tpu.memory_space<vmem>> -> memref<1x256x128xf32, #tpu.memory_space<vmem>>
    %dma_wait3A_190 = tpu.memref_squeeze %dma_wait3A_189 : memref<1x256x128xf32, #tpu.memory_space<vmem>> -> memref<256x128xf32, #tpu.memory_space<vmem>>
    %dma_wait3A_191 = arith.constant 0 : i32
    %dma_wait3A_192 = tpu.memref_slice %arg4[%add3A_179, %dma_wait3A_191] : memref<819200x128xf32, #tpu.memory_space<hbm>> -> memref<256x128xf32, #tpu.memory_space<hbm>>
    tpu.wait_dma2 semaphore(%arg7 : memref<!tpu.dma_semaphore, #tpu.memory_space<semaphore_mem>>) src(%dma_wait3A_192 : memref<256x128xf32, #tpu.memory_space<hbm>>) dst(%dma_wait3A_190 : memref<256x128xf32, #tpu.memory_space<vmem>>)
    %add3A_193 = arith.constant 25088 : i32
    %add3A_194 = arith.addi %mul3A_2, %add3A_193 : i32
    %dma_start3A_195 = arith.constant 2 : i32
    %dma_start3A_196 = arith.constant 0 : i32
    %dma_start3A_197 = arith.constant 0 : i32
    %dma_start3A_198 = tpu.memref_slice %arg6[%dma_start3A_195, %dma_start3A_196, %dma_start3A_197] : memref<3x256x128xf32, #tpu.memory_space<vmem>> -> memref<1x256x128xf32, #tpu.memory_space<vmem>>
    %dma_start3A_199 = tpu.memref_squeeze %dma_start3A_198 : memref<1x256x128xf32, #tpu.memory_space<vmem>> -> memref<256x128xf32, #tpu.memory_space<vmem>>
    %dma_start3A_200 = arith.constant 0 : i32
    %dma_start3A_201 = tpu.memref_slice %arg4[%add3A_194, %dma_start3A_200] : memref<819200x128xf32, #tpu.memory_space<hbm>> -> memref<256x128xf32, #tpu.memory_space<hbm>>
    %dma_start3A_202 = arith.constant 0 : i32
    %dma_start3A_203 = tpu.memref_slice %arg4[%add3A_194, %dma_start3A_202] : memref<819200x128xf32, #tpu.memory_space<hbm>> -> memref<256x128xf32, #tpu.memory_space<hbm>>
    %dma_start3A_204 = arith.constant 0 : i32
    %dma_start3A_205 = arith.constant 0 : i32
    %dma_start3A_206 = tpu.memref_slice %arg6[%dma_start3A_195, %dma_start3A_204, %dma_start3A_205] : memref<3x256x128xf32, #tpu.memory_space<vmem>> -> memref<1x256x128xf32, #tpu.memory_space<vmem>>
    %dma_start3A_207 = tpu.memref_squeeze %dma_start3A_206 : memref<1x256x128xf32, #tpu.memory_space<vmem>> -> memref<256x128xf32, #tpu.memory_space<vmem>>
    tpu.enqueue_dma source(%dma_start3A_207 : memref<256x128xf32, #tpu.memory_space<vmem>>) target(%dma_start3A_203 : memref<256x128xf32, #tpu.memory_space<hbm>>) target_semaphore(%arg8 : memref<!tpu.dma_semaphore, #tpu.memory_space<semaphore_mem>>)
    %add3A_208 = arith.constant 24832 : i32
    %add3A_209 = arith.addi %mul3A_2, %add3A_208 : i32
    %dma_wait3A_210 = arith.constant 1 : i32
    %dma_wait3A_211 = arith.constant 0 : i32
    %dma_wait3A_212 = arith.constant 0 : i32
    %dma_wait3A_213 = tpu.memref_slice %arg6[%dma_wait3A_210, %dma_wait3A_211, %dma_wait3A_212] : memref<3x256x128xf32, #tpu.memory_space<vmem>> -> memref<1x256x128xf32, #tpu.memory_space<vmem>>
    %dma_wait3A_214 = tpu.memref_squeeze %dma_wait3A_213 : memref<1x256x128xf32, #tpu.memory_space<vmem>> -> memref<256x128xf32, #tpu.memory_space<vmem>>
    %dma_wait3A_215 = arith.constant 0 : i32
    %dma_wait3A_216 = tpu.memref_slice %arg4[%add3A_209, %dma_wait3A_215] : memref<819200x128xf32, #tpu.memory_space<hbm>> -> memref<256x128xf32, #tpu.memory_space<hbm>>
    %dma_wait3A_217 = arith.constant 0 : i32
    %dma_wait3A_218 = tpu.memref_slice %arg4[%add3A_209, %dma_wait3A_217] : memref<819200x128xf32, #tpu.memory_space<hbm>> -> memref<256x128xf32, #tpu.memory_space<hbm>>
    %dma_wait3A_219 = arith.constant 0 : i32
    %dma_wait3A_220 = arith.constant 0 : i32
    %dma_wait3A_221 = tpu.memref_slice %arg6[%dma_wait3A_210, %dma_wait3A_219, %dma_wait3A_220] : memref<3x256x128xf32, #tpu.memory_space<vmem>> -> memref<1x256x128xf32, #tpu.memory_space<vmem>>
    %dma_wait3A_222 = tpu.memref_squeeze %dma_wait3A_221 : memref<1x256x128xf32, #tpu.memory_space<vmem>> -> memref<256x128xf32, #tpu.memory_space<vmem>>
    tpu.wait_dma2 semaphore(%arg8 : memref<!tpu.dma_semaphore, #tpu.memory_space<semaphore_mem>>) src(%dma_wait3A_222 : memref<256x128xf32, #tpu.memory_space<vmem>>) dst(%dma_wait3A_218 : memref<256x128xf32, #tpu.memory_space<hbm>>)
    %add3A_223 = arith.constant 25344 : i32
    %add3A_224 = arith.addi %mul3A_2, %add3A_223 : i32
    %dma_wait3A_225 = arith.constant 0 : i32
    %dma_wait3A_226 = arith.constant 0 : i32
    %dma_wait3A_227 = arith.constant 0 : i32
    %dma_wait3A_228 = tpu.memref_slice %arg6[%dma_wait3A_225, %dma_wait3A_226, %dma_wait3A_227] : memref<3x256x128xf32, #tpu.memory_space<vmem>> -> memref<1x256x128xf32, #tpu.memory_space<vmem>>
    %dma_wait3A_229 = tpu.memref_squeeze %dma_wait3A_228 : memref<1x256x128xf32, #tpu.memory_space<vmem>> -> memref<256x128xf32, #tpu.memory_space<vmem>>
    %dma_wait3A_230 = arith.constant 0 : i32
    %dma_wait3A_231 = tpu.memref_slice %arg4[%add3A_224, %dma_wait3A_230] : memref<819200x128xf32, #tpu.memory_space<hbm>> -> memref<256x128xf32, #tpu.memory_space<hbm>>
    %dma_wait3A_232 = arith.constant 0 : i32
    %dma_wait3A_233 = arith.constant 0 : i32
    %dma_wait3A_234 = tpu.memref_slice %arg6[%dma_wait3A_225, %dma_wait3A_232, %dma_wait3A_233] : memref<3x256x128xf32, #tpu.memory_space<vmem>> -> memref<1x256x128xf32, #tpu.memory_space<vmem>>
    %dma_wait3A_235 = tpu.memref_squeeze %dma_wait3A_234 : memref<1x256x128xf32, #tpu.memory_space<vmem>> -> memref<256x128xf32, #tpu.memory_space<vmem>>
    %dma_wait3A_236 = arith.constant 0 : i32
    %dma_wait3A_237 = tpu.memref_slice %arg4[%add3A_224, %dma_wait3A_236] : memref<819200x128xf32, #tpu.memory_space<hbm>> -> memref<256x128xf32, #tpu.memory_space<hbm>>
    tpu.wait_dma2 semaphore(%arg7 : memref<!tpu.dma_semaphore, #tpu.memory_space<semaphore_mem>>) src(%dma_wait3A_237 : memref<256x128xf32, #tpu.memory_space<hbm>>) dst(%dma_wait3A_235 : memref<256x128xf32, #tpu.memory_space<vmem>>)
    %add3A_238 = arith.constant 25344 : i32
    %add3A_239 = arith.addi %mul3A_2, %add3A_238 : i32
    %dma_start3A_240 = arith.constant 0 : i32
    %dma_start3A_241 = arith.constant 0 : i32
    %dma_start3A_242 = arith.constant 0 : i32
    %dma_start3A_243 = tpu.memref_slice %arg6[%dma_start3A_240, %dma_start3A_241, %dma_start3A_242] : memref<3x256x128xf32, #tpu.memory_space<vmem>> -> memref<1x256x128xf32, #tpu.memory_space<vmem>>
    %dma_start3A_244 = tpu.memref_squeeze %dma_start3A_243 : memref<1x256x128xf32, #tpu.memory_space<vmem>> -> memref<256x128xf32, #tpu.memory_space<vmem>>
    %dma_start3A_245 = arith.constant 0 : i32
    %dma_start3A_246 = tpu.memref_slice %arg4[%add3A_239, %dma_start3A_245] : memref<819200x128xf32, #tpu.memory_space<hbm>> -> memref<256x128xf32, #tpu.memory_space<hbm>>
    %dma_start3A_247 = arith.constant 0 : i32
    %dma_start3A_248 = tpu.memref_slice %arg4[%add3A_239, %dma_start3A_247] : memref<819200x128xf32, #tpu.memory_space<hbm>> -> memref<256x128xf32, #tpu.memory_space<hbm>>
    %dma_start3A_249 = arith.constant 0 : i32
    %dma_start3A_250 = arith.constant 0 : i32
    %dma_start3A_251 = tpu.memref_slice %arg6[%dma_start3A_240, %dma_start3A_249, %dma_start3A_250] : memref<3x256x128xf32, #tpu.memory_space<vmem>> -> memref<1x256x128xf32, #tpu.memory_space<vmem>>
    %dma_start3A_252 = tpu.memref_squeeze %dma_start3A_251 : memref<1x256x128xf32, #tpu.memory_space<vmem>> -> memref<256x128xf32, #tpu.memory_space<vmem>>
    tpu.enqueue_dma source(%dma_start3A_252 : memref<256x128xf32, #tpu.memory_space<vmem>>) target(%dma_start3A_248 : memref<256x128xf32, #tpu.memory_space<hbm>>) target_semaphore(%arg8 : memref<!tpu.dma_semaphore, #tpu.memory_space<semaphore_mem>>)
    %add3A_253 = arith.constant 25088 : i32
    %add3A_254 = arith.addi %mul3A_2, %add3A_253 : i32
    %dma_wait3A_255 = arith.constant 2 : i32
    %dma_wait3A_256 = arith.constant 0 : i32
    %dma_wait3A_257 = arith.constant 0 : i32
    %dma_wait3A_258 = tpu.memref_slice %arg6[%dma_wait3A_255, %dma_wait3A_256, %dma_wait3A_257] : memref<3x256x128xf32, #tpu.memory_space<vmem>> -> memref<1x256x128xf32, #tpu.memory_space<vmem>>
    %dma_wait3A_259 = tpu.memref_squeeze %dma_wait3A_258 : memref<1x256x128xf32, #tpu.memory_space<vmem>> -> memref<256x128xf32, #tpu.memory_space<vmem>>
    %dma_wait3A_260 = arith.constant 0 : i32
    %dma_wait3A_261 = tpu.memref_slice %arg4[%add3A_254, %dma_wait3A_260] : memref<819200x128xf32, #tpu.memory_space<hbm>> -> memref<256x128xf32, #tpu.memory_space<hbm>>
    %dma_wait3A_262 = arith.constant 0 : i32
    %dma_wait3A_263 = tpu.memref_slice %arg4[%add3A_254, %dma_wait3A_262] : memref<819200x128xf32, #tpu.memory_space<hbm>> -> memref<256x128xf32, #tpu.memory_space<hbm>>
    %dma_wait3A_264 = arith.constant 0 : i32
    %dma_wait3A_265 = arith.constant 0 : i32
    %dma_wait3A_266 = tpu.memref_slice %arg6[%dma_wait3A_255, %dma_wait3A_264, %dma_wait3A_265] : memref<3x256x128xf32, #tpu.memory_space<vmem>> -> memref<1x256x128xf32, #tpu.memory_space<vmem>>
    %dma_wait3A_267 = tpu.memref_squeeze %dma_wait3A_266 : memref<1x256x128xf32, #tpu.memory_space<vmem>> -> memref<256x128xf32, #tpu.memory_space<vmem>>
    tpu.wait_dma2 semaphore(%arg8 : memref<!tpu.dma_semaphore, #tpu.memory_space<semaphore_mem>>) src(%dma_wait3A_267 : memref<256x128xf32, #tpu.memory_space<vmem>>) dst(%dma_wait3A_263 : memref<256x128xf32, #tpu.memory_space<hbm>>)
    %add3A_268 = arith.constant 25344 : i32
    %add3A_269 = arith.addi %mul3A_2, %add3A_268 : i32
    %dma_wait3A_270 = arith.constant 0 : i32
    %dma_wait3A_271 = arith.constant 0 : i32
    %dma_wait3A_272 = arith.constant 0 : i32
    %dma_wait3A_273 = tpu.memref_slice %arg6[%dma_wait3A_270, %dma_wait3A_271, %dma_wait3A_272] : memref<3x256x128xf32, #tpu.memory_space<vmem>> -> memref<1x256x128xf32, #tpu.memory_space<vmem>>
    %dma_wait3A_274 = tpu.memref_squeeze %dma_wait3A_273 : memref<1x256x128xf32, #tpu.memory_space<vmem>> -> memref<256x128xf32, #tpu.memory_space<vmem>>
    %dma_wait3A_275 = arith.constant 0 : i32
    %dma_wait3A_276 = tpu.memref_slice %arg4[%add3A_269, %dma_wait3A_275] : memref<819200x128xf32, #tpu.memory_space<hbm>> -> memref<256x128xf32, #tpu.memory_space<hbm>>
    %dma_wait3A_277 = arith.constant 0 : i32
    %dma_wait3A_278 = tpu.memref_slice %arg4[%add3A_269, %dma_wait3A_277] : memref<819200x128xf32, #tpu.memory_space<hbm>> -> memref<256x128xf32, #tpu.memory_space<hbm>>
    %dma_wait3A_279 = arith.constant 0 : i32
    %dma_wait3A_280 = arith.constant 0 : i32
    %dma_wait3A_281 = tpu.memref_slice %arg6[%dma_wait3A_270, %dma_wait3A_279, %dma_wait3A_280] : memref<3x256x128xf32, #tpu.memory_space<vmem>> -> memref<1x256x128xf32, #tpu.memory_space<vmem>>
    %dma_wait3A_282 = tpu.memref_squeeze %dma_wait3A_281 : memref<1x256x128xf32, #tpu.memory_space<vmem>> -> memref<256x128xf32, #tpu.memory_space<vmem>>
    tpu.wait_dma2 semaphore(%arg8 : memref<!tpu.dma_semaphore, #tpu.memory_space<semaphore_mem>>) src(%dma_wait3A_282 : memref<256x128xf32, #tpu.memory_space<vmem>>) dst(%dma_wait3A_278 : memref<256x128xf32, #tpu.memory_space<hbm>>)
    return
  }
}

</mosaic_0001>

<sc_bundles>
// kernel: kernel.3.cloned.1.call-start
scs
__scs_entry_jumppad:
0x0: {  	(pc) =	sbr.rel $0x88, $3  }
0x1: {  	(tag) =	ssettag $0x0;
	lr =	simm.s32 $0x1  }
0x2: {  	[smem:$0x3F9F] =	sst lr;
	_ =	strace $0xD0000000  }
0x3: {  	_ = 	snop  }
0x4: {  	_ = 	snop  }
0x5: {  	_ = 	snop  }
0x6: {  	_ = 	snop  }
0x7: {  	_ = 	snop  }
__scs_overlays_trampoline_lowered:
0x8: {  	[smem:$0x3FAE] =	sst s0  }
0x9: {  	[smem:$0x3FAF] =	sst s1  }
0xa: {  	[smem:$0x3FB0] =	sst s2  }
0xb: {  	[smem:$0x3FB1] =	sst s3  }
0xc: {  	[smem:$0x3FB2] =	sst s4  }
0xd: {  	[smem:$0x3FB3] =	sst s5  }
0xe: {  	[smem:$0x3FB4] =	sst s6  }
0xf: {  	[smem:$0x3FB5] =	sst s7  }
0x10: {  	[smem:$0x3FB6] =	sst s8  }
0x11: {  	[smem:$0x3FB7] =	sst s9;
	s0 =	simm.s32 @!p0 $0x0  }
0x12: {  	s1 =	sld [smem:$0x3F9D];
	s0 =	simm.s32 @p0 $0x1  }
0x13: {  	[smem:$0x3FB8] =	sst s0;
	s0 =	simm.s32 @!p1 $0x0  }
0x14: {  	s2 =	sld [smem:$0x3F9C];
	s0 =	simm.s32 @p1 $0x1  }
0x15: {  	[smem:$0x3FB9] =	sst s0;
	s0 =	simm.s32 @!p2 $0x0  }
0x16: {  	s3 =	sld [smem:$0x3FDB];
	s0 =	simm.s32 @p2 $0x1  }
0x17: {  	s4 =	simm.s32 $0x1BF5;
	[smem:$0x3FBB] =	sst s0  }
0x18: {  	s0 =	sld [smem:$0x3F9E];
	_ =	swait.ge [sflag:s4], $0x0  }
0x19: {  	s7 =	sld [smem:$0x3F9F]  }
0x1a: {  	s8 =	sadd.s32 $0xFFFFE003, lr  }
0x1b: {  	s9 =	sadd.s32 $0xFFFFFEF7, lr;
	s5 =	simm.s32 $0xFFFFFFFF;
	p2 =	slt.u32 s8, $0xFFFFF086  }
0x1c: {  	p1 =	slt.u32 s9, $0xF7A;
	s5 =	simm.s32 @!p2 $0x0  }
0x1d: {  	s5 =	simm.s32 @p1 $0x1;
	p0 =	seq.s32 s7, s2  }
0x1e: {  	s7 =	smul.u32 @!p0 $0xF7A, s2;
	p2 =	seq.s32 @!p0 s5, $0x0  }
0x1f: {  	s9 =	smul.u32 $0xF7A, s1;
	s8 =	simm.s32 @!p0 $0x1BF5;
	p2 =	por !p2, p0  }
0x20: {  	[sflag:s8] =	ssyncset.s32 @!p0 $0xFFFFF086;
	s6 =	sadd.s32 @!p0 s3, s7;
	s7 =	simm.s32 @!p0 $0x108  }
0x21: {  	s3 =	sadd.s32 s3, s9;
	s6 =	sadd.s32 @!p0 $0x88, s6;
	s7 =	simm.s32 @p2 $0x1082  }
0x22: {  	[simem:s7], [sflag:s8] =	dma.local @!p0 [hbm:s6], $0xF7A  }
0x23: {  	s9 =	sor.u32 $0xD0000000, s2;
	s6 =	simm.s32 $0x108;
	_ =	swait.ge @!p0 [sflag:s8], $0x0  }
0x24: {  	s3 =	sadd.s32 $0x88, s3;
	s6 =	simm.s32 @!p1 $0x1082;
	[sflag:s4] =	ssyncset.s32 $0xFFFFF086  }
0x25: {  	[simem:s6], [sflag:s4] =	dma.local [hbm:s3], $0xF7A  }
0x26: {  	[smem:$0x3F9F] =	sst s1;
	(tag) =	ssettag s2;
	_ =	strace s9  }
0x27: {  	s1 =	sld [smem:$0x3FAF]  }
0x28: {  	s2 =	sld [smem:$0x3FB0]  }
0x29: {  	s4 =	sld [smem:$0x3FB2]  }
0x2a: {  	p0 =	seq.s32 s5, $0x0;
	s5 =	sld [smem:$0x3FB3]  }
0x2b: {  	s6 =	sld [smem:$0x3FB4]  }
0x2c: {  	s7 =	sld [smem:$0x3FB5]  }
0x2d: {  	s3 =	simm.s32 $0x108;
	s8 =	sld [smem:$0x3FB6]  }
0x2e: {  	s3 =	simm.s32 @!p0 $0x1082;
	s9 =	sld [smem:$0x3FB7]  }
0x2f: {  	lr =	sadd.s32 s0, s3;
	s0 =	sld [smem:$0x3FAE]  }
0x30: {  	s3 =	sld [smem:$0x3FB1]  }
0x31: {  	[smem:$0x3FBA] =	sst s10  }
0x32: {  	s10 =	sld [smem:$0x3FB8];
	_ =	sdelay $0x3  }
0x33: {  	p0 =	seq.s32 s10, $0x1;
	s10 =	sld [smem:$0x3FBA];
	_ =	sdelay $0x3  }
0x34: {  	[smem:$0x3FBA] =	sst s10  }
0x35: {  	s10 =	sld [smem:$0x3FB9];
	_ =	sdelay $0x3  }
0x36: {  	p1 =	seq.s32 s10, $0x1;
	s10 =	sld [smem:$0x3FBA];
	_ =	sdelay $0x3  }
0x37: {  	[smem:$0x3FBA] =	sst s10  }
0x38: {  	s10 =	sld [smem:$0x3FBB]  }
0x39: {  	_ = 	snop;
	(pc) =	sbr.ind lr, $3  }
0x3a: {  	_ = 	snop  }
0x3b: {  	_ = 	snop  }
0x3c: {  	p2 =	seq.s32 s10, $0x1;
	s10 =	sld [smem:$0x3FBA]  }
0x3d: {  	_ =	shalt  }
0x3e: {  	_ =	shalt  }
0x3f: {  	_ =	shalt  }
0x40: {  	_ =	shalt  }
0x41: {  	_ =	shalt  }
0x42: {  	_ =	shalt  }
0x43: {  	_ =	shalt  }
0x44: {  	_ =	shalt  }
0x45: {  	_ =	shalt  }
0x46: {  	_ =	shalt  }
0x47: {  	_ =	shalt  }
0x48: {  	_ =	shalt  }
0x49: {  	_ =	shalt  }
0x4a: {  	_ =	shalt  }
0x4b: {  	_ =	shalt  }
0x4c: {  	_ =	shalt  }
0x4d: {  	_ =	shalt  }
0x4e: {  	_ =	shalt  }
0x4f: {  	_ =	shalt  }
0x50: {  	_ =	shalt  }
0x51: {  	_ =	shalt  }
0x52: {  	_ =	shalt  }
0x53: {  	_ =	shalt  }
0x54: {  	_ =	shalt  }
0x55: {  	_ =	shalt  }
0x56: {  	_ =	shalt  }
0x57: {  	_ =	shalt  }
0x58: {  	_ =	shalt  }
0x59: {  	_ =	shalt  }
0x5a: {  	_ =	shalt  }
0x5b: {  	_ =	shalt  }
0x5c: {  	_ =	shalt  }
0x5d: {  	_ =	shalt  }
0x5e: {  	_ =	shalt  }
0x5f: {  	_ =	shalt  }
0x60: {  	_ =	shalt  }
0x61: {  	_ =	shalt  }
0x62: {  	_ =	shalt  }
0x63: {  	_ =	shalt  }
0x64: {  	_ =	shalt  }
0x65: {  	_ =	shalt  }
0x66: {  	_ =	shalt  }
0x67: {  	_ =	shalt  }
0x68: {  	_ =	shalt  }
0x69: {  	_ =	shalt  }
0x6a: {  	_ =	shalt  }
0x6b: {  	_ =	shalt  }
0x6c: {  	_ =	shalt  }
0x6d: {  	_ =	shalt  }
0x6e: {  	_ =	shalt  }
0x6f: {  	_ =	shalt  }
0x70: {  	_ =	shalt  }
0x71: {  	_ =	shalt  }
0x72: {  	_ =	shalt  }
0x73: {  	_ =	shalt  }
0x74: {  	_ =	shalt  }
0x75: {  	_ =	shalt  }
0x76: {  	_ =	shalt  }
0x77: {  	_ =	shalt  }
0x78: {  	_ =	shalt  }
0x79: {  	_ =	shalt  }
0x7a: {  	_ =	shalt  }
0x7b: {  	_ =	shalt  }
0x7c: {  	_ =	shalt  }
0x7d: {  	_ =	shalt  }
0x7e: {  	_ =	shalt  }
0x7f: {  	_ =	shalt  }
0x80: {  	_ =	shalt  }
0x81: {  	_ =	shalt  }
0x82: {  	_ =	shalt  }
0x83: {  	_ =	shalt  }
0x84: {  	_ =	shalt  }
0x85: {  	_ =	shalt  }
0x86: {  	_ =	shalt  }
0x87: {  	_ =	shalt  }
.Lfunc_end0:
.L_simem_size_0:
called_computation_lowered:
.L_overlay_start_0:
0x88: {  	s2 =	sld [smem:$0x3FD9]  }
0x89: {  	s3 =	sld [smem:$0x3FFE];
	_ =	sdelay $0x1  }
0x8a: {  	s1 =	srdreg.scid  }
0x8b: {  	s0 =	sand.u32 $0x1, s1  }
0x8c: {  	s17 =	sshll.u32 s0, $0xA;
	s2 =	sadd.s32 s3, s2  }
0x8d: {  	s2 =	sadd.s32 s2, s17  }
0x8e: {  	[smem:$0x3FC6] =	sst s2  }
0x8f: {  	_ = 	snop  }
0x90: {  	s2 =	sld [smem:$0x3FD0];
	(tm) =	ssettm $0x1  }
0x91: {  	s18 =	sld [smem:$0x3FFB];
	_ =	sdelay $0x3  }
0x92: {  	_ =	strace s18  }
0x93: {  	s3 =	sld [smem:$0x3FFC];
	_ =	sdelay $0x3  }
0x94: {  	_ =	strace s3  }
0x95: {  	s3 =	sld [smem:$0x3FFD];
	_ =	sdelay $0x3  }
0x96: {  	_ =	strace s3  }
0x97: {  	_ =	strace $0x8FFFFFFF  }
0x98: {  	s19 =	sld [smem:$0x3FDB];
	_ =	sdelay $0x1  }
0x99: {  	s4 =	simm.s32 $_scs_section_size  }
0x9a: {  	s5 =	simm.s32 $_size__tile_overlayer_lowered;
	s6 =	simm.s32 $_tile_overlayer_lowered  }
0x9b: {  	s22 =	simm.s32 $0x1BFF;
	s21 =	sshll.u32 s6, $0x1;
	s3 =	sadd.s32 s4, s19  }
0x9c: {  	s7 =	simm.s32 $0x0;
	s20 =	sshll.u32 s5, $0x1;
	s5 =	sadd.s32 s21, s3  }
0x9d: {  	[timem:s7], [sflag:s22] =	dma.local [hbm:s5], s20  }
0x9e: {  	_ =	swait.ge [sflag:s22], s20  }
0x9f: {  	s4 =	ssub.s32 $0x0, s20;
	[sflag:s22] =	ssyncset.done $0x0  }
0xa0: {  	[sflag:s22] =	ssyncadd.s32 s4;
	_ =	sdelay $0x1  }
0xa1: {  	s23 =	simm.s32 $0x1B8B  }
0xa2: {  	_ =	swait.ge [sflag:s23], $0x1  }
0xa3: {  	[sflag:s23] =	ssyncset.done $0x0  }
0xa4: {  	s25 =	simm.s32 $0x1B8E;
	s24 =	sld [smem:$0x3FFE];
	[sflag:s23] =	ssyncadd.s32 $0xFFFFFFFF  }
0xa5: {  	s26 =	simm.s32 $execute0_lowered;
	[smem:$0x3FD2] =	sst s25  }
0xa6: {  	s5 =	sshll.u32 s26, $0x1;
	_ =	strace $0x80000046;
	[dreg:$0x1] =	wrdreg $0xFFFFFFFF  }
0xa7: {  	s28 =	simm.s32 $_size_execute0_lowered;
	s3 =	sadd.s32 s3, s5;
	[dreg:$0x0] =	wrdreg $0x0  }
0xa8: {  	s5 =	sshll.u32 s28, $0x1;
	[dreg:$0x2] =	wrdreg s3  }
0xa9: {  	[dreg:$0x3] =	wrdreg s5  }
0xaa: {  	[dreg:$0x4] =	wrdreg $0xC0  }
0xab: {  	_ =	task [dreg:s7], $0x5FFFF  }
0xac: {  	[dreg:$0x1] =	wrdreg $0xFFFFFFFF  }
0xad: {  	[dreg:$0x0] =	wrdreg $0x60  }
0xae: {  	[dreg:$0x2] =	wrdreg s24  }
0xaf: {  	[dreg:$0x3] =	wrdreg s2  }
0xb0: {  	[dreg:$0x4] =	wrdreg $0x9  }
0xb1: {  	_ =	task.clear_ibuf [dreg:s7], $0x5FFFF;
	_ =	strace $0x90000046  }
0xb2: {  	s29 =	simm.s32 $0x9;
	_ =	strace $0x80000048  }
0xb3: {  	_ =	swait.ge [sflag:s29], $0x1  }
0xb4: {  	[sflag:s29] =	ssyncadd.s32 $0xFFFFFFFF  }
0xb5: {  	_ =	strace $0x90000048  }
0xb6: {  	_ =	sfence  }
0xb7: {  	s30 =	sld [smem:$0x0];
	_ =	sdelay $0x2  }
0xb8: {  	s31 =	sshll.u32 s1, $0xD;
	s1 =	sshrl.u32 s1, $0x2  }
0xb9: {  	s3 =	sand.u32 $0x4000, s31;
	s1 =	sadd.s32 s1, s30  }
0xba: {  	s0 =	sor.u32 s3, s0;
	s1 =	sshll.u32 s1, $0x11  }
0xbb: {  	s0 =	sor.u32 s1, s0  }
0xbc: {  	s0 =	sadd.s32 $0x8F2B, s0  }
0xbd: {  	[sflag:s0] =	ssyncadd.remote.s32 $0x1  }
0xbe: {  	_ =	sfence.sel $0xFFFF  }
0xbf: {  	[dreg:$0x0] =	wrdreg $0xFFFFFFFF;
	(pc) =	sbr.abs _section_cstart, $3  }
0xc0: {  	[dreg:$0x1] =	wrdreg $0xFFFFFFFF  }
0xc1: {  	_ =	task.clear_ibuf [dreg:s7], $0x2FFFF;
	_ =	strace $0x9FFFFFFF  }
0xc2: {  	(tm) =	ssettm $0x7FFFFFFF  }
0xc3: {  	_ =	shalt  }
tec
execute0_lowered:
.L_overlay_start_1:
0x0: {  	(tag) =	ssettag $0x1  }
0x1: {  	s0 =	rddreg [dreg:$0x0];
	s1 =	srdreg.scid  }
0x2: {  	s9 =	stileid.u32;
	s11 =	rddreg [dreg:$0x1];
	s2 =	simm.s32 $0x0  }
0x3: {  	s14 =	simm.s32 $0x6400;
	s15 =	simm.s32 $0xA400;
	s17 =	simm.s32 $0xE400  }
0x4: {  	s18 =	simm.s32 $0x180;
	s19 =	simm.s32 $0x12400;
	s20 =	simm.s32 $0x200  }
0x5: {  	s21 =	simm.s32 $0x16400;
	s22 =	simm.s32 $0x280;
	s8 =	smul.u32 $0xC8000, s9  }
0x6: {  	s1 =	sand.u32 $0x1, s1;
	s3 =	sshll.u32 s9, $0x1;
	s9 =	smul.u32 $0x640000, s9  }
0x7: {  	s23 =	simm.s32 $0x1A400;
	s24 =	simm.s32 $0x1;
	s12 =	smul.u32 $0x320000, s1  }
0x8: {  	s3 =	sor.u32 s1, s3;
	s6 =	ssub.s32 $0x2, s1;
	s1 =	smul.u32 $0x64000, s1  }
0x9: {  	s25 =	simm.s32 $0x2;
	s28 =	simm.s32 $0x6380;
	s4 =	smul.u32 $0xC80, s3  }
0xa: {  	s29 =	simm.s32 $0x0;
	[smem:$0x7FF] =	sst s2;
	s5 =	smul.u32 $0x64000, s3  }
0xb: {  	_ =	strace $0x80000047;
	s7 =	smul.u32 $0x320000, s3;
	s3 =	sadd.s32 $0x19400, s0  }
0xc: {  	s26 =	sshrl.u32 s6, $0x1;
	s13 =	sadd.s32 s8, s11;
	s9 =	sadd.s32 s12, s9  }
0xd: {  	s1 =	sadd.s32 s1, s13;
	s13 =	simm.s32 $0x80;
	s4 =	sadd.s32 s4, s0  }
0xe: {  	s0 =	ssub.s32 s6, s26;
	s30 =	sshrl.u32 s7, $0x3;
	s5 =	sadd.s32 s11, s5  }
0xf: {  	s12 =	sor.u32 $0x18000, s9;
	s26 =	simm.s32 $0x6300;
	s4 =	sadd.s32 $0x400, s4  }
0x10: {  	s10 =	sadd.s32 s11, s30;
	s9 =	smax.u32 s0, $0x1;
	s31 =	sshrl.u32 s12, $0x3  }
0x11: {  	s12 =	simm.s32 $0x3;
	s6 =	sadd.s32 $0x61000, s10;
	s7 =	sadd.s32 $0x62000, s10  }
0x12: {  	s8 =	sadd.s32 $0x63000, s10;
	s10 =	sadd.s32 $0x2000, s1;
	s11 =	sadd.s32 s31, s11  }
.LBB2_1:
0x13: {  	[tilespmem:s2], [sflag:$0x3] =	stream.linear.gather [hbm4b:s4+s2], $0x6400, $0x38;
	[tilespmem:$0x1E400] =	vst v63  }
0x14: {  	_ =	swait.ge [sflag:s12], $0x6400  }
0x15: {  	[sflag:s12] =	ssyncset.done $0x0  }
0x16: {  	[sflag:s12] =	ssyncadd.s32 $0xFFFF9C00  }
0x17: {  	[tilespmem:s14], [sflag:$0x1] =	stream.indirect.gather [hbm4b:s3+s13], $0x80, s2, s13, $0xb8;
	[tilespmem:$0x1E400] =	vst v63  }
0x18: {  	_ = 	snop  }
0x19: {  	[tilespmem:s15], [sflag:$0x1] =	stream.indirect.gather [hbm4b:s3+s13], $0x80, s13, s13, $0xb8;
	[tilespmem:$0x1E400] =	vst v63  }
0x1a: {  	s0 =	simm.s32 $0x100  }
0x1b: {  	[tilespmem:s17], [sflag:$0x1] =	stream.indirect.gather [hbm4b:s3+s13], $0x80, s0, s13, $0xb8;
	[tilespmem:$0x1E400] =	vst v63  }
0x1c: {  	_ = 	snop  }
0x1d: {  	[tilespmem:s19], [sflag:$0x1] =	stream.indirect.gather [hbm4b:s3+s13], $0x80, s18, s13, $0xb8;
	[tilespmem:$0x1E400] =	vst v63  }
0x1e: {  	_ = 	snop  }
0x1f: {  	[tilespmem:s21], [sflag:$0x1] =	stream.indirect.gather [hbm4b:s3+s13], $0x80, s20, s13, $0xb8;
	[tilespmem:$0x1E400] =	vst v63  }
0x20: {  	_ = 	snop  }
0x21: {  	[tilespmem:s23], [sflag:$0x1] =	stream.indirect.gather [hbm4b:s3+s13], $0x80, s22, s13, $0xb8;
	[tilespmem:$0x1E400] =	vst v63  }
0x22: {  	_ =	swait.ge [sflag:s24], $0x8000  }
0x23: {  	[sflag:s24] =	ssyncset.done $0x0  }
0x24: {  	[sflag:s24] =	ssyncadd.s32 $0xFFFF8000  }
0x25: {  	[hbm4b:s5+s2] =	stream.linear.scatter [tilespmem:s14], [sflag:$0x2], $0x8000, $0x38;
	[tilespmem:$0x1E400] =	vst v63  }
0x26: {  	_ =	swait.ge [sflag:s24], $0x8000  }
0x27: {  	[sflag:s24] =	ssyncset.done $0x0  }
0x28: {  	s1 =	sadd.s32 $0xFFFFF000, s10;
	[sflag:s24] =	ssyncadd.s32 $0xFFFF8000  }
0x29: {  	[hbm4b:s1+s2] =	stream.linear.scatter [tilespmem:s17], [sflag:$0x2], $0x8000, $0x38;
	[tilespmem:$0x1E400] =	vst v63  }
0x2a: {  	_ =	swait.ge [sflag:s25], $0x8000  }
0x2b: {  	[sflag:s25] =	ssyncset.done $0x0  }
0x2c: {  	s16 =	simm.s32 $0x300;
	[sflag:s25] =	ssyncadd.s32 $0xFFFF8000  }
0x2d: {  	[tilespmem:s14], [sflag:$0x1] =	stream.indirect.gather [hbm4b:s3+s13], $0x80, s16, s13, $0xb8;
	[tilespmem:$0x1E400] =	vst v63  }
0x2e: {  	s1 =	simm.s32 $0x380  }
0x2f: {  	[tilespmem:s15], [sflag:$0x1] =	stream.indirect.gather [hbm4b:s3+s13], $0x80, s1, s13, $0xb8;
	[tilespmem:$0x1E400] =	vst v63  }
0x30: {  	_ =	swait.ge [sflag:s24], $0x8000  }
0x31: {  	[sflag:s24] =	ssyncset.done $0x0  }
0x32: {  	[sflag:s24] =	ssyncadd.s32 $0xFFFF8000  }
0x33: {  	[hbm4b:s10+s2] =	stream.linear.scatter [tilespmem:s21], [sflag:$0x2], $0x8000, $0x38;
	[tilespmem:$0x1E400] =	vst v63  }
0x34: {  	_ =	swait.ge [sflag:s25], $0x8000  }
0x35: {  	[sflag:s25] =	ssyncset.done $0x0  }
0x36: {  	s16 =	simm.s32 $0x400;
	[sflag:s25] =	ssyncadd.s32 $0xFFFF8000  }
0x37: {  	[tilespmem:s17], [sflag:$0x1] =	stream.indirect.gather [hbm4b:s3+s13], $0x80, s16, s13, $0xb8;
	[tilespmem:$0x1E400] =	vst v63  }
0x38: {  	s1 =	simm.s32 $0x480  }
0x39: {  	[tilespmem:s19], [sflag:$0x1] =	stream.indirect.gather [hbm4b:s3+s13], $0x80, s1, s13, $0xb8;
	[tilespmem:$0x1E400] =	vst v63  }
0x3a: {  	_ =	swait.ge [sflag:s24], $0x8000  }
0x3b: {  	[sflag:s24] =	ssyncset.done $0x0  }
0x3c: {  	[sflag:s24] =	ssyncadd.s32 $0xFFFF8000  }
0x3d: {  	[hbm4b:s11+s2] =	stream.linear.scatter [tilespmem:s14], [sflag:$0x2], $0x8000, $0x38;
	[tilespmem:$0x1E400] =	vst v63  }
0x3e: {  	s30 =	simm.s32 $0xC00;
	_ =	swait.ge [sflag:s25], $0x8000  }
0x3f: {  	s31 =	sadd.s32 $0x3000, s10;
	s0 =	simm.s32 $0x580;
	[sflag:s25] =	ssyncset.done $0x0  }
0x40: {  	s16 =	simm.s32 $0x500;
	s1 =	sadd.s32 $0x3000, s11;
	[sflag:s25] =	ssyncadd.s32 $0xFFFF8000  }
0x41: {  	[tilespmem:s21], [sflag:$0x1] =	stream.indirect.gather [hbm4b:s3+s13], $0x80, s16, s13, $0xb8;
	[tilespmem:$0x1E400] =	vst v63  }
.LBB2_2:
0x42: {  	[tilespmem:s23], [sflag:$0x1] =	stream.indirect.gather [hbm4b:s3+s13], $0x80, s0, s13, $0xb8;
	[tilespmem:$0x1E400] =	vst v63  }
0x43: {  	s0 =	smov.u32 s30  }
0x44: {  	p0 =	sne.s32 s30, $0x17400;
	s30 =	sadd.s32 $0xC00, s30;
	_ =	swait.ge [sflag:s24], $0x8000  }
0x45: {  	[sflag:s24] =	ssyncset.done $0x0  }
0x46: {  	s16 =	sadd.s32 $0xFFFFF000, s31;
	[sflag:s24] =	ssyncadd.s32 $0xFFFF8000  }
0x47: {  	[hbm4b:s16+s2] =	stream.linear.scatter [tilespmem:s17], [sflag:$0x2], $0x8000, $0x38;
	[tilespmem:$0x1E400] =	vst v63  }
0x48: {  	_ =	swait.ge [sflag:s25], $0x8000  }
0x49: {  	s0 =	sshra.s32 s0, $0x2;
	[sflag:s25] =	ssyncset.done $0x0  }
0x4a: {  	s16 =	sadd.s32 $0x300, s0;
	[sflag:s25] =	ssyncadd.s32 $0xFFFF8000  }
0x4b: {  	[tilespmem:s14], [sflag:$0x1] =	stream.indirect.gather [hbm4b:s3+s13], $0x80, s16, s13, $0xb8;
	[tilespmem:$0x1E400] =	vst v63  }
0x4c: {  	s16 =	sadd.s32 $0x380, s0  }
0x4d: {  	[tilespmem:s15], [sflag:$0x1] =	stream.indirect.gather [hbm4b:s3+s13], $0x80, s16, s13, $0xb8;
	[tilespmem:$0x1E400] =	vst v63  }
0x4e: {  	_ =	swait.ge [sflag:s24], $0x8000  }
0x4f: {  	[sflag:s24] =	ssyncset.done $0x0  }
0x50: {  	[sflag:s24] =	ssyncadd.s32 $0xFFFF8000  }
0x51: {  	[hbm4b:s31+s2] =	stream.linear.scatter [tilespmem:s21], [sflag:$0x2], $0x8000, $0x38;
	[tilespmem:$0x1E400] =	vst v63  }
0x52: {  	_ =	swait.ge [sflag:s25], $0x8000  }
0x53: {  	[sflag:s25] =	ssyncset.done $0x0  }
0x54: {  	s16 =	sadd.s32 $0x400, s0;
	[sflag:s25] =	ssyncadd.s32 $0xFFFF8000  }
0x55: {  	[tilespmem:s17], [sflag:$0x1] =	stream.indirect.gather [hbm4b:s3+s13], $0x80, s16, s13, $0xb8;
	[tilespmem:$0x1E400] =	vst v63  }
0x56: {  	s16 =	sadd.s32 $0x480, s0  }
0x57: {  	[tilespmem:s19], [sflag:$0x1] =	stream.indirect.gather [hbm4b:s3+s13], $0x80, s16, s13, $0xb8;
	[tilespmem:$0x1E400] =	vst v63  }
0x58: {  	_ =	swait.ge [sflag:s24], $0x8000  }
0x59: {  	[sflag:s24] =	ssyncset.done $0x0  }
0x5a: {  	[sflag:s24] =	ssyncadd.s32 $0xFFFF8000  }
0x5b: {  	[hbm4b:s1+s2] =	stream.linear.scatter [tilespmem:s14], [sflag:$0x2], $0x8000, $0x38;
	[tilespmem:$0x1E400] =	vst v63  }
.Ltmp0:
0x5c: {  	_ =	swait.ge [sflag:s25], $0x8000;
	(pc) =	sbr.rel @p0 .LBB2_2-.Ltmp0, $4  }
0x5d: {  	[sflag:s25] =	ssyncset.done $0x0  }
0x5e: {  	s16 =	sadd.s32 $0x500, s0;
	[sflag:s25] =	ssyncadd.s32 $0xFFFF8000  }
0x5f: {  	[tilespmem:s21], [sflag:$0x1] =	stream.indirect.gather [hbm4b:s3+s13], $0x80, s16, s13, $0xb8;
	[tilespmem:$0x1E400] =	vst v63  }
0x60: {  	s31 =	sadd.s32 $0x3000, s31;
	s0 =	sadd.s32 $0x580, s0;
	s1 =	sadd.s32 $0x3000, s1  }
0x61: {  	[tilespmem:s23], [sflag:$0x1] =	stream.indirect.gather [hbm4b:s3+s13], $0x80, s0, s13, $0xb8;
	[tilespmem:$0x1E400] =	vst v63  }
0x62: {  	_ =	swait.ge [sflag:s24], $0x8000  }
0x63: {  	[sflag:s24] =	ssyncset.done $0x0  }
0x64: {  	[sflag:s24] =	ssyncadd.s32 $0xFFFF8000  }
0x65: {  	[hbm4b:s6+s2] =	stream.linear.scatter [tilespmem:s17], [sflag:$0x2], $0x8000, $0x38;
	[tilespmem:$0x1E400] =	vst v63  }
0x66: {  	_ =	swait.ge [sflag:s25], $0x8000  }
0x67: {  	[sflag:s25] =	ssyncset.done $0x0  }
0x68: {  	[sflag:s25] =	ssyncadd.s32 $0xFFFF8000  }
0x69: {  	[tilespmem:s14], [sflag:$0x1] =	stream.indirect.gather [hbm4b:s3+s13], $0x80, s26, s13, $0xb8;
	[tilespmem:$0x1E400] =	vst v63  }
0x6a: {  	_ = 	snop  }
0x6b: {  	[tilespmem:s15], [sflag:$0x1] =	stream.indirect.gather [hbm4b:s3+s13], $0x80, s28, s13, $0xb8;
	[tilespmem:$0x1E400] =	vst v63  }
0x6c: {  	_ =	swait.ge [sflag:s24], $0x8000  }
0x6d: {  	[sflag:s24] =	ssyncset.done $0x0  }
0x6e: {  	[sflag:s24] =	ssyncadd.s32 $0xFFFF8000  }
0x6f: {  	[hbm4b:s7+s2] =	stream.linear.scatter [tilespmem:s21], [sflag:$0x2], $0x8000, $0x38;
	[tilespmem:$0x1E400] =	vst v63  }
0x70: {  	_ =	swait.ge [sflag:s25], $0x8000  }
0x71: {  	[sflag:s25] =	ssyncset.done $0x0  }
0x72: {  	[sflag:s25] =	ssyncadd.s32 $0xFFFF8000  }
0x73: {  	_ =	swait.ge [sflag:s24], $0x8000  }
0x74: {  	[sflag:s24] =	ssyncset.done $0x0  }
0x75: {  	s29 =	sadd.s32 $0x1, s29;
	[sflag:s24] =	ssyncadd.s32 $0xFFFF8000  }
0x76: {  	[hbm4b:s8+s2] =	stream.linear.scatter [tilespmem:s14], [sflag:$0x2], $0x8000, $0x38;
	[tilespmem:$0x1E400] =	vst v63  }
0x77: {  	p0 =	sne.s32 s29, s9;
	_ =	swait.ge [sflag:s25], $0x8000  }
.Ltmp1:
0x78: {  	[sflag:s25] =	ssyncset.done $0x0;
	(pc) =	sbr.rel @p0 .LBB2_1-.Ltmp1, $4  }
0x79: {  	[sflag:s25] =	ssyncadd.s32 $0xFFFF8000  }
0x7a: {  	_ =	swait.ge [sflag:s25], $0x8000  }
0x7b: {  	[sflag:s25] =	ssyncset.done $0x0  }
0x7c: {  	[sflag:s25] =	ssyncadd.s32 $0xFFFF8000  }
0x7d: {  	_ =	sfence.sel $0x180000  }
0x7e: {  	[bflag:$0x0] =	sbarrier.arrive $0xFFFF  }
0x7f: {  	_ =	strace $0x90000047  }
0x80: {  	s0 =	stileid.u32;
	[bflag:$0x2] =	sbarrier.arrive $0xFFFF  }
0x81: {  	p0 =	sne.s32 s0, $0x0;
	s0 =	rddreg [dreg:$0x2]  }
0x82: {  	s0 =	sadd.s32 @!p0 $0x100000, s0  }
0x83: {  	[sflag:s0] =	ssyncadd.tile.s32 @!p0 $0x1;
	_ =	shalt  }
.Lfunc_end2:
_tile_overlayer_lowered:
.L_overlay_start_2:
0x84: {  	(tag) =	ssettag $0x2  }
0x85: {  	s0 =	rddreg [dreg:$0x0];
	s2 =	stileid.u32  }
0x86: {  	s1 =	rddreg [dreg:$0x1];
	p0 =	sne.s32 s2, $0x0  }
0x87: {  	s3 =	rddreg [dreg:$0x2];
	[bflag:$0x3] =	sbarrier.arrive $0xFFFF;
	s2 =	simm.s32 @!p0 $0x1C03  }
0x88: {  	[timem:s3], [sflag:s2] =	dma.local @!p0 [hbm:s0], s1  }
0x89: {  	s0 =	simm.s32 @!p0 $0x3  }
0x8a: {  	_ =	swait.ge @!p0 [sflag:s0], s1  }
0x8b: {  	s1 =	ssub.s32 @!p0 $0x0, s1;
	[sflag:s0] =	ssyncset.done @!p0 $0x0  }
0x8c: {  	[sflag:s0] =	ssyncadd.s32 @!p0 s1  }
0x8d: {  	[bflag:$0x3] =	sbarrier.arrive $0xFFFF  }
0x8e: {  	_ =	shalt  }

</sc_bundles>
